<compile_context>
chip_gen: v7x
topology: tpu7x:2x2x1
jax: 0.10.2.dev20260603
libtpu: 0.0.44.dev20260713+nightly
codegen_flags: <defaults>
</compile_context>

<pallas_src>
import functools

import jax
import jax.numpy as jnp
from jax import lax
from jax.experimental import pallas as pl
from jax.experimental.pallas import tpu as pltpu
from jax.experimental.pallas import tpu_sc as plsc

_NC = 2
_NS = 16
_NW = _NC * _NS
_L = 16
_NG = 8
_LANES = 128
_B0 = 4096
_B1 = 100
_B0PW = _B0 // _NW
_BIG = 48
_TAIL = _B1 - 2 * _BIG
_NBIG = 2 * _B0PW


def _sc_body(permute_chunk, extra_scratch=()):
    mesh = plsc.VectorSubcoreMesh(core_axis_name="c", subcore_axis_name="s")

    def make(*operands):
        @functools.partial(
            pl.kernel,
            out_type=jax.ShapeDtypeStruct((_B0, _B1, _LANES), jnp.float32),
            mesh=mesh,
            scratch_types=[
                pltpu.VMEM((_BIG, _LANES), jnp.float32),
                pltpu.VMEM((_BIG, _LANES), jnp.float32),
                pltpu.VMEM((_BIG, _LANES), jnp.float32),
                pltpu.VMEM((_BIG, _LANES), jnp.float32),
                pltpu.VMEM((_TAIL, _LANES), jnp.float32),
                pltpu.VMEM((_TAIL, _LANES), jnp.float32),
                pltpu.VMEM((_TAIL, _LANES), jnp.float32),
                pltpu.VMEM((_TAIL, _LANES), jnp.float32),
                pltpu.SemaphoreType.DMA,
                pltpu.SemaphoreType.DMA,
                pltpu.SemaphoreType.DMA,
                pltpu.SemaphoreType.DMA,
                pltpu.SemaphoreType.DMA,
                pltpu.SemaphoreType.DMA,
                pltpu.SemaphoreType.DMA,
                pltpu.SemaphoreType.DMA,
                *extra_scratch,
            ],
            compiler_params=pltpu.CompilerParams(
                needs_layout_passes=False, use_tc_tiling_on_sc=True),
        )
        def body(*refs):
            nop = len(operands)
            x_hbm = refs[0]
            y_hbm = refs[nop]
            (bin0, bin1, bout0, bout1, tin0, tin1, tout0, tout1,
             sbi0, sbi1, sbo0, sbo1, sti0, sti1, sto0, sto1
             ) = refs[nop + 1:nop + 17]
            extra = refs[nop + 17:]
            wid = lax.axis_index("s") * _NC + lax.axis_index("c")
            d0_base = wid * _B0PW

            prep = permute_chunk(refs[1:nop], extra)

            bins, bouts = (bin0, bin1), (bout0, bout1)
            sbis, sbos = (sbi0, sbi1), (sbo0, sbo1)
            tins, touts = (tin0, tin1), (tout0, tout1)
            stis, stos = (sti0, sti1), (sto0, sto1)

            def big_slice(ref, ci):
                d0 = d0_base + lax.shift_right_logical(ci, 1)
                r0 = lax.mul(lax.rem(ci, 2), _BIG)
                return ref.at[d0, pl.ds(r0, _BIG)]

            def tail_slice(ref, ti):
                return ref.at[d0_base + ti, pl.ds(2 * _BIG, _TAIL)]

            def start_big_in(ci, b):
                pltpu.async_copy(big_slice(x_hbm, ci), bins[b], sbis[b])

            def wait_big_in(b):
                pltpu.make_async_copy(x_hbm.at[0, pl.ds(0, _BIG)],
                                      bins[b], sbis[b]).wait()

            def start_big_out(ci, b):
                pltpu.async_copy(bouts[b], big_slice(y_hbm, ci), sbos[b])

            def wait_big_out(b):
                pltpu.make_async_copy(bouts[b],
                                      y_hbm.at[0, pl.ds(0, _BIG)],
                                      sbos[b]).wait()

            def start_tail_in(ti, b):
                pltpu.async_copy(tail_slice(x_hbm, ti), tins[b], stis[b])

            def wait_tail_in(b):
                pltpu.make_async_copy(x_hbm.at[0, pl.ds(0, _TAIL)],
                                      tins[b], stis[b]).wait()

            def start_tail_out(ti, b):
                pltpu.async_copy(touts[b], tail_slice(y_hbm, ti), stos[b])

            def wait_tail_out(b):
                pltpu.make_async_copy(touts[b],
                                      y_hbm.at[0, pl.ds(0, _TAIL)],
                                      stos[b]).wait()

            start_big_in(0, 0)
            start_big_in(1, 1)
            start_tail_in(0, 0)
            start_tail_in(1, 1)

            def pair_body(i2, carry):
                for j in (0, 1):
                    i = 2 * i2 + j
                    for b in (0, 1):
                        ci = 2 * i + b
                        wait_big_in(b)

                        @pl.when(ci > 1)
                        def _():
                            wait_big_out(b)

                        prep(bins[b], bouts[b])
                        start_big_out(ci, b)

                        @pl.when(ci + 2 < _NBIG)
                        def _():
                            start_big_in(ci + 2, b)

                    wait_tail_in(j)

                    @pl.when(i > 1)
                    def _():
                        wait_tail_out(j)

                    prep(tins[j], touts[j])
                    start_tail_out(i, j)

                    @pl.when(i + 2 < _B0PW)
                    def _():
                        start_tail_in(i + 2, j)

                return carry

            lax.fori_loop(0, _B0PW // 2, pair_body, 0)
            wait_big_out(0)
            wait_big_out(1)
            wait_tail_out(0)
            wait_tail_out(1)

        return body(*operands)

    return make


def _sc_permute(x, perm):

    def permute_chunk(operands, extra):
        perm_hbm, = operands
        perm_v, = extra
        pltpu.sync_copy(perm_hbm, perm_v)
        lane_idx = [perm_v[pl.ds(_L * k, _L)] for k in range(_NG)]

        def prep(in_v, out_v):
            nrows = in_v.shape[0]

            def row_body(r, rc):
                ridx = jnp.full((_L,), r, jnp.int32)
                for k in range(_NG):
                    vals = plsc.load_gather(in_v, [ridx, lane_idx[k]])
                    out_v[r, pl.ds(_L * k, _L)] = vals
                return rc

            lax.fori_loop(0, nrows, row_body, 0, unroll=2)

        return prep

    return _sc_body(
        permute_chunk,
        extra_scratch=(pltpu.VMEM((_LANES,), jnp.int32),),
    )(x, perm)


def kernel(x, permutation):
    y = _sc_permute(x, permutation)
    return y, jnp.zeros(x.shape[:-1], x.dtype)

# --- scband reference (transcript-rebuilt; emitter-appended) ---
"""Pipeline reference for scband-permute-74577812128658 (READ-ONLY COPY).

The authoritative reference and input builder live on the scoring server;
editing this copy changes nothing except your own understanding.
"""

import jax, jax.numpy as jnp
import numpy as np


def setup_inputs(seed: int = 0) -> dict:
    key = jax.random.key(seed)
    k1, = jax.random.split(key, 1)
    x = jax.random.normal(k1, (4096, 100, 128), dtype=jnp.float32)
    permutation = jnp.arange(127, -1, -1, dtype=jnp.int32)  # reversal permutation, matches init_kwargs
    return {"x": x, "permutation": permutation}


def permute_along_axis(x, permutation, axis=-1):
    x = jnp.moveaxis(x, axis, 0)
    x = x[permutation, ...]
    x = jnp.moveaxis(x, 0, axis)
    return x


def reference(x, permutation):
    axis = -1
    event_ndims_in = 1
    y = permute_along_axis(x, permutation, axis=axis)
    log_det = jnp.zeros(x.shape[:-event_ndims_in])
    return y, log_det

if __name__ == "__main__":
    import jax
    _d = setup_inputs()
    print(jax.jit(kernel)(*tuple(_d.values())))

</pallas_src>

<mosaic_0001>
#map = affine_map<(d0, d1) -> (0, 0, 0)>
#map1 = affine_map<(d0, d1) -> (0)>
module attributes {stable_mosaic.version = 14 : i64} {
  func.func @body(%arg0: i32, %arg1: i32, %arg2: memref<4096x100x128xf32, #tpu.memory_space<hbm>>, %arg3: memref<128xi32, #tpu.memory_space<hbm>>, %arg4: memref<4096x100x128xf32, #tpu.memory_space<hbm>>, %arg5: memref<48x128xf32, #tpu.memory_space<vmem>>, %arg6: memref<48x128xf32, #tpu.memory_space<vmem>>, %arg7: memref<48x128xf32, #tpu.memory_space<vmem>>, %arg8: memref<48x128xf32, #tpu.memory_space<vmem>>, %arg9: memref<4x128xf32, #tpu.memory_space<vmem>>, %arg10: memref<4x128xf32, #tpu.memory_space<vmem>>, %arg11: memref<4x128xf32, #tpu.memory_space<vmem>>, %arg12: memref<4x128xf32, #tpu.memory_space<vmem>>, %arg13: memref<!tpu.dma_semaphore, #tpu.memory_space<semaphore_mem>>, %arg14: memref<!tpu.dma_semaphore, #tpu.memory_space<semaphore_mem>>, %arg15: memref<!tpu.dma_semaphore, #tpu.memory_space<semaphore_mem>>, %arg16: memref<!tpu.dma_semaphore, #tpu.memory_space<semaphore_mem>>, %arg17: memref<!tpu.dma_semaphore, #tpu.memory_space<semaphore_mem>>, %arg18: memref<!tpu.dma_semaphore, #tpu.memory_space<semaphore_mem>>, %arg19: memref<!tpu.dma_semaphore, #tpu.memory_space<semaphore_mem>>, %arg20: memref<!tpu.dma_semaphore, #tpu.memory_space<semaphore_mem>>, %arg21: memref<128xi32, #tpu.memory_space<vmem>>) attributes {dimension_semantics = [#tpu.dimension_semantics<core_parallel>, #tpu.dimension_semantics<subcore_parallel>], iteration_bounds = array<i64: 2, 16>, scalar_prefetch = 0 : i64, scratch_operands = 17 : i64, tpu.core_type = #tpu.core_type<sc_vector_subcore>, window_params = [{transform_indices = #map}, {transform_indices = #map1}, {transform_indices = #map}]} {
    %mul3A = arith.constant 2 : i32
    %mul3A_0 = arith.muli %arg1, %mul3A : i32
    %add3A = arith.addi %mul3A_0, %arg0 : i32
    %mul3A_1 = arith.constant 128 : i32
    %mul3A_2 = arith.muli %add3A, %mul3A_1 : i32
    "tpu.region"() ({
      %run_scoped3A = tpu.sem_alloc : memref<!tpu.dma_semaphore, #tpu.memory_space<semaphore_mem>>
      tpu.enqueue_dma source(%arg3 : memref<128xi32, #tpu.memory_space<hbm>>) target(%arg21 : memref<128xi32, #tpu.memory_space<vmem>>) target_semaphore(%run_scoped3A : memref<!tpu.dma_semaphore, #tpu.memory_space<semaphore_mem>>)
      tpu.wait_dma2 semaphore(%run_scoped3A : memref<!tpu.dma_semaphore, #tpu.memory_space<semaphore_mem>>) src(%arg3 : memref<128xi32, #tpu.memory_space<hbm>>) dst(%arg21 : memref<128xi32, #tpu.memory_space<vmem>>)
      tpu.yield
    }) : () -> ()
    %get3A = arith.constant 0 : index
    %get3A_3 = tpu.vector_load %arg21[%get3A] {strides = array<i32>} : memref<128xi32, #tpu.memory_space<vmem>>, vector<16xi32>,
    %get3A_4 = arith.constant 16 : index
    %get3A_5 = tpu.vector_load %arg21[%get3A_4] {strides = array<i32>} : memref<128xi32, #tpu.memory_space<vmem>>, vector<16xi32>,
    %get3A_6 = arith.constant 32 : index
    %get3A_7 = tpu.vector_load %arg21[%get3A_6] {strides = array<i32>} : memref<128xi32, #tpu.memory_space<vmem>>, vector<16xi32>,
    %get3A_8 = arith.constant 48 : index
    %get3A_9 = tpu.vector_load %arg21[%get3A_8] {strides = array<i32>} : memref<128xi32, #tpu.memory_space<vmem>>, vector<16xi32>,
    %get3A_10 = arith.constant 64 : index
    %get3A_11 = tpu.vector_load %arg21[%get3A_10] {strides = array<i32>} : memref<128xi32, #tpu.memory_space<vmem>>, vector<16xi32>,
    %get3A_12 = arith.constant 80 : index
    %get3A_13 = tpu.vector_load %arg21[%get3A_12] {strides = array<i32>} : memref<128xi32, #tpu.memory_space<vmem>>, vector<16xi32>,
    %get3A_14 = arith.constant 96 : index
    %get3A_15 = tpu.vector_load %arg21[%get3A_14] {strides = array<i32>} : memref<128xi32, #tpu.memory_space<vmem>>, vector<16xi32>,
    %get3A_16 = arith.constant 112 : index
    %get3A_17 = tpu.vector_load %arg21[%get3A_16] {strides = array<i32>} : memref<128xi32, #tpu.memory_space<vmem>>, vector<16xi32>,
    %shift_right_logical3A = arith.constant 0 : i32
    %shift_right_logical3A_18 = arith.constant 1 : i32
    %shift_right_logical3A_19 = arith.shrui %shift_right_logical3A, %shift_right_logical3A_18 : i32
    %add3A_20 = arith.addi %mul3A_2, %shift_right_logical3A_19 : i32
    %rem3A = arith.constant 0 : i32
    %rem3A_21 = arith.constant 2 : i32
    %rem3A_22 = arith.remsi %rem3A, %rem3A_21 : i32
    %mul3A_23 = arith.constant 48 : i32
    %mul3A_24 = arith.muli %rem3A_22, %mul3A_23 : i32
    %dma_start3A = arith.constant 0 : i32
    %dma_start3A_25 = tpu.memref_slice %arg2[%add3A_20, %mul3A_24, %dma_start3A] : memref<4096x100x128xf32, #tpu.memory_space<hbm>> -> memref<1x48x128xf32, #tpu.memory_space<hbm>>
    %dma_start3A_26 = tpu.memref_squeeze %dma_start3A_25 : memref<1x48x128xf32, #tpu.memory_space<hbm>> -> memref<48x128xf32, #tpu.memory_space<hbm>>
    %dma_start3A_27 = arith.constant 0 : i32
    %dma_start3A_28 = tpu.memref_slice %arg2[%add3A_20, %mul3A_24, %dma_start3A_27] : memref<4096x100x128xf32, #tpu.memory_space<hbm>> -> memref<1x48x128xf32, #tpu.memory_space<hbm>>
    %dma_start3A_29 = tpu.memref_squeeze %dma_start3A_28 : memref<1x48x128xf32, #tpu.memory_space<hbm>> -> memref<48x128xf32, #tpu.memory_space<hbm>>
    tpu.enqueue_dma source(%dma_start3A_29 : memref<48x128xf32, #tpu.memory_space<hbm>>) target(%arg5 : memref<48x128xf32, #tpu.memory_space<vmem>>) target_semaphore(%arg13 : memref<!tpu.dma_semaphore, #tpu.memory_space<semaphore_mem>>)
    %shift_right_logical3A_30 = arith.constant 1 : i32
    %shift_right_logical3A_31 = arith.constant 1 : i32
    %shift_right_logical3A_32 = arith.shrui %shift_right_logical3A_30, %shift_right_logical3A_31 : i32
    %add3A_33 = arith.addi %mul3A_2, %shift_right_logical3A_32 : i32
    %rem3A_34 = arith.constant 1 : i32
    %rem3A_35 = arith.constant 2 : i32
    %rem3A_36 = arith.remsi %rem3A_34, %rem3A_35 : i32
    %mul3A_37 = arith.constant 48 : i32
    %mul3A_38 = arith.muli %rem3A_36, %mul3A_37 : i32
    %dma_start3A_39 = arith.constant 0 : i32
    %dma_start3A_40 = tpu.memref_slice %arg2[%add3A_33, %mul3A_38, %dma_start3A_39] : memref<4096x100x128xf32, #tpu.memory_space<hbm>> -> memref<1x48x128xf32, #tpu.memory_space<hbm>>
    %dma_start3A_41 = tpu.memref_squeeze %dma_start3A_40 : memref<1x48x128xf32, #tpu.memory_space<hbm>> -> memref<48x128xf32, #tpu.memory_space<hbm>>
    %dma_start3A_42 = arith.constant 0 : i32
    %dma_start3A_43 = tpu.memref_slice %arg2[%add3A_33, %mul3A_38, %dma_start3A_42] : memref<4096x100x128xf32, #tpu.memory_space<hbm>> -> memref<1x48x128xf32, #tpu.memory_space<hbm>>
    %dma_start3A_44 = tpu.memref_squeeze %dma_start3A_43 : memref<1x48x128xf32, #tpu.memory_space<hbm>> -> memref<48x128xf32, #tpu.memory_space<hbm>>
    tpu.enqueue_dma source(%dma_start3A_44 : memref<48x128xf32, #tpu.memory_space<hbm>>) target(%arg6 : memref<48x128xf32, #tpu.memory_space<vmem>>) target_semaphore(%arg14 : memref<!tpu.dma_semaphore, #tpu.memory_space<semaphore_mem>>)
    %add3A_45 = arith.constant 0 : i32
    %add3A_46 = arith.addi %mul3A_2, %add3A_45 : i32
    %dma_start3A_47 = arith.constant 96 : i32
    %dma_start3A_48 = arith.constant 0 : i32
    %dma_start3A_49 = tpu.memref_slice %arg2[%add3A_46, %dma_start3A_47, %dma_start3A_48] : memref<4096x100x128xf32, #tpu.memory_space<hbm>> -> memref<1x4x128xf32, #tpu.memory_space<hbm>>
    %dma_start3A_50 = tpu.memref_squeeze %dma_start3A_49 : memref<1x4x128xf32, #tpu.memory_space<hbm>> -> memref<4x128xf32, #tpu.memory_space<hbm>>
    %dma_start3A_51 = arith.constant 96 : i32
    %dma_start3A_52 = arith.constant 0 : i32
    %dma_start3A_53 = tpu.memref_slice %arg2[%add3A_46, %dma_start3A_51, %dma_start3A_52] : memref<4096x100x128xf32, #tpu.memory_space<hbm>> -> memref<1x4x128xf32, #tpu.memory_space<hbm>>
    %dma_start3A_54 = tpu.memref_squeeze %dma_start3A_53 : memref<1x4x128xf32, #tpu.memory_space<hbm>> -> memref<4x128xf32, #tpu.memory_space<hbm>>
    tpu.enqueue_dma source(%dma_start3A_54 : memref<4x128xf32, #tpu.memory_space<hbm>>) target(%arg9 : memref<4x128xf32, #tpu.memory_space<vmem>>) target_semaphore(%arg17 : memref<!tpu.dma_semaphore, #tpu.memory_space<semaphore_mem>>)
    %add3A_55 = arith.constant 1 : i32
    %add3A_56 = arith.addi %mul3A_2, %add3A_55 : i32
    %dma_start3A_57 = arith.constant 96 : i32
    %dma_start3A_58 = arith.constant 0 : i32
    %dma_start3A_59 = tpu.memref_slice %arg2[%add3A_56, %dma_start3A_57, %dma_start3A_58] : memref<4096x100x128xf32, #tpu.memory_space<hbm>> -> memref<1x4x128xf32, #tpu.memory_space<hbm>>
    %dma_start3A_60 = tpu.memref_squeeze %dma_start3A_59 : memref<1x4x128xf32, #tpu.memory_space<hbm>> -> memref<4x128xf32, #tpu.memory_space<hbm>>
    %dma_start3A_61 = arith.constant 96 : i32
    %dma_start3A_62 = arith.constant 0 : i32
    %dma_start3A_63 = tpu.memref_slice %arg2[%add3A_56, %dma_start3A_61, %dma_start3A_62] : memref<4096x100x128xf32, #tpu.memory_space<hbm>> -> memref<1x4x128xf32, #tpu.memory_space<hbm>>
    %dma_start3A_64 = tpu.memref_squeeze %dma_start3A_63 : memref<1x4x128xf32, #tpu.memory_space<hbm>> -> memref<4x128xf32, #tpu.memory_space<hbm>>
    tpu.enqueue_dma source(%dma_start3A_64 : memref<4x128xf32, #tpu.memory_space<hbm>>) target(%arg10 : memref<4x128xf32, #tpu.memory_space<vmem>>) target_semaphore(%arg18 : memref<!tpu.dma_semaphore, #tpu.memory_space<semaphore_mem>>)
    %scan3A = arith.constant 0 : i32
    %scan3A_65 = arith.constant 0 : i32
    %scan3A_66 = arith.constant 64 : i32
    %scan3A_67 = arith.addi %scan3A_65, %scan3A_66 : i32
    %scan3A_68 = arith.constant 1 : i32
    scf.for %scan3A_105 = %scan3A_65 to %scan3A_67 step %scan3A_68  : i32 {
      %mul3A_106 = arith.constant 2 : i32
      %mul3A_107 = arith.muli %mul3A_106, %scan3A_105 : i32
      %add3A_108 = arith.constant 0 : i32
      %add3A_109 = arith.addi %mul3A_107, %add3A_108 : i32
      %mul3A_110 = arith.constant 2 : i32
      %mul3A_111 = arith.muli %mul3A_110, %add3A_109 : i32
      %add3A_112 = arith.constant 0 : i32
      %add3A_113 = arith.addi %mul3A_111, %add3A_112 : i32
      %dma_wait3A_114 = arith.constant 0 : i32
      %dma_wait3A_115 = arith.constant 0 : i32
      %dma_wait3A_116 = arith.constant 0 : i32
      %dma_wait3A_117 = tpu.memref_slice %arg2[%dma_wait3A_114, %dma_wait3A_115, %dma_wait3A_116] : memref<4096x100x128xf32, #tpu.memory_space<hbm>> -> memref<1x48x128xf32, #tpu.memory_space<hbm>>
      %dma_wait3A_118 = tpu.memref_squeeze %dma_wait3A_117 : memref<1x48x128xf32, #tpu.memory_space<hbm>> -> memref<48x128xf32, #tpu.memory_space<hbm>>
      %dma_wait3A_119 = arith.constant 0 : i32
      %dma_wait3A_120 = arith.constant 0 : i32
      %dma_wait3A_121 = tpu.memref_slice %arg2[%dma_wait3A_114, %dma_wait3A_119, %dma_wait3A_120] : memref<4096x100x128xf32, #tpu.memory_space<hbm>> -> memref<1x48x128xf32, #tpu.memory_space<hbm>>
      %dma_wait3A_122 = tpu.memref_squeeze %dma_wait3A_121 : memref<1x48x128xf32, #tpu.memory_space<hbm>> -> memref<48x128xf32, #tpu.memory_space<hbm>>
      tpu.wait_dma2 semaphore(%arg13 : memref<!tpu.dma_semaphore, #tpu.memory_space<semaphore_mem>>) src(%dma_wait3A_122 : memref<48x128xf32, #tpu.memory_space<hbm>>) dst(%arg5 : memref<48x128xf32, #tpu.memory_space<vmem>>)
      %gt3A = arith.constant 1 : i32
      %gt3A_123 = arith.cmpi sgt, %add3A_113, %gt3A : i32
      %convert_element_type3A = arith.extui %gt3A_123 : i1 to i32
      %cond3A = arith.constant 0 : i32
      %cond3A_124 = arith.cmpi ne, %convert_element_type3A, %cond3A : i32
      scf.if %cond3A_124 {
        %dma_wait3A_358 = arith.constant 0 : i32
        %dma_wait3A_359 = arith.constant 0 : i32
        %dma_wait3A_360 = arith.constant 0 : i32
        %dma_wait3A_361 = tpu.memref_slice %arg4[%dma_wait3A_358, %dma_wait3A_359, %dma_wait3A_360] : memref<4096x100x128xf32, #tpu.memory_space<hbm>> -> memref<1x48x128xf32, #tpu.memory_space<hbm>>
        %dma_wait3A_362 = tpu.memref_squeeze %dma_wait3A_361 : memref<1x48x128xf32, #tpu.memory_space<hbm>> -> memref<48x128xf32, #tpu.memory_space<hbm>>
        %dma_wait3A_363 = arith.constant 0 : i32
        %dma_wait3A_364 = arith.constant 0 : i32
        %dma_wait3A_365 = tpu.memref_slice %arg4[%dma_wait3A_358, %dma_wait3A_363, %dma_wait3A_364] : memref<4096x100x128xf32, #tpu.memory_space<hbm>> -> memref<1x48x128xf32, #tpu.memory_space<hbm>>
        %dma_wait3A_366 = tpu.memref_squeeze %dma_wait3A_365 : memref<1x48x128xf32, #tpu.memory_space<hbm>> -> memref<48x128xf32, #tpu.memory_space<hbm>>
        tpu.wait_dma2 semaphore(%arg15 : memref<!tpu.dma_semaphore, #tpu.memory_space<semaphore_mem>>) src(%arg7 : memref<48x128xf32, #tpu.memory_space<vmem>>) dst(%dma_wait3A_366 : memref<48x128xf32, #tpu.memory_space<hbm>>)
      } else {
      }
      %scan3A_125 = arith.constant 0 : i32
      %scan3A_126 = arith.constant 0 : i32
      %scan3A_127 = arith.constant 48 : i32
      %scan3A_128 = arith.addi %scan3A_126, %scan3A_127 : i32
      %scan3A_129 = arith.constant 2 : i32
      scf.for %scan3A_358 = %scan3A_126 to %scan3A_128 step %scan3A_129  : i32 {
        %broadcast_in_dim3A = vector.broadcast %scan3A_358 : i32 to vector<16xi32>
        %gather3A = tpu.vector_load_idx %arg5[%broadcast_in_dim3A, %get3A_3] : memref<48x128xf32, #tpu.memory_space<vmem>>[vector<16xi32>, vector<16xi32>], vector<16xf32>,
        %swap3A = arith.index_cast %scan3A_358 : i32 to index
        %swap3A_359 = arith.constant 0 : index
        %swap3A_360 = tpu.vector_load %arg7[%swap3A, %swap3A_359] {strides = array<i32>} : memref<48x128xf32, #tpu.memory_space<vmem>>, vector<16xf32>,
        tpu.vector_store %arg7[%swap3A, %swap3A_359], %gather3A {strides = array<i32>} : memref<48x128xf32, #tpu.memory_space<vmem>>, vector<16xf32>,
        %gather3A_361 = tpu.vector_load_idx %arg5[%broadcast_in_dim3A, %get3A_5] : memref<48x128xf32, #tpu.memory_space<vmem>>[vector<16xi32>, vector<16xi32>], vector<16xf32>,
        %swap3A_362 = arith.index_cast %scan3A_358 : i32 to index
        %swap3A_363 = arith.constant 16 : index
        %swap3A_364 = tpu.vector_load %arg7[%swap3A_362, %swap3A_363] {strides = array<i32>} : memref<48x128xf32, #tpu.memory_space<vmem>>, vector<16xf32>,
        tpu.vector_store %arg7[%swap3A_362, %swap3A_363], %gather3A_361 {strides = array<i32>} : memref<48x128xf32, #tpu.memory_space<vmem>>, vector<16xf32>,
        %gather3A_365 = tpu.vector_load_idx %arg5[%broadcast_in_dim3A, %get3A_7] : memref<48x128xf32, #tpu.memory_space<vmem>>[vector<16xi32>, vector<16xi32>], vector<16xf32>,
        %swap3A_366 = arith.index_cast %scan3A_358 : i32 to index
        %swap3A_367 = arith.constant 32 : index
        %swap3A_368 = tpu.vector_load %arg7[%swap3A_366, %swap3A_367] {strides = array<i32>} : memref<48x128xf32, #tpu.memory_space<vmem>>, vector<16xf32>,
        tpu.vector_store %arg7[%swap3A_366, %swap3A_367], %gather3A_365 {strides = array<i32>} : memref<48x128xf32, #tpu.memory_space<vmem>>, vector<16xf32>,
        %gather3A_369 = tpu.vector_load_idx %arg5[%broadcast_in_dim3A, %get3A_9] : memref<48x128xf32, #tpu.memory_space<vmem>>[vector<16xi32>, vector<16xi32>], vector<16xf32>,
        %swap3A_370 = arith.index_cast %scan3A_358 : i32 to index
        %swap3A_371 = arith.constant 48 : index
        %swap3A_372 = tpu.vector_load %arg7[%swap3A_370, %swap3A_371] {strides = array<i32>} : memref<48x128xf32, #tpu.memory_space<vmem>>, vector<16xf32>,
        tpu.vector_store %arg7[%swap3A_370, %swap3A_371], %gather3A_369 {strides = array<i32>} : memref<48x128xf32, #tpu.memory_space<vmem>>, vector<16xf32>,
        %gather3A_373 = tpu.vector_load_idx %arg5[%broadcast_in_dim3A, %get3A_11] : memref<48x128xf32, #tpu.memory_space<vmem>>[vector<16xi32>, vector<16xi32>], vector<16xf32>,
        %swap3A_374 = arith.index_cast %scan3A_358 : i32 to index
        %swap3A_375 = arith.constant 64 : index
        %swap3A_376 = tpu.vector_load %arg7[%swap3A_374, %swap3A_375] {strides = array<i32>} : memref<48x128xf32, #tpu.memory_space<vmem>>, vector<16xf32>,
        tpu.vector_store %arg7[%swap3A_374, %swap3A_375], %gather3A_373 {strides = array<i32>} : memref<48x128xf32, #tpu.memory_space<vmem>>, vector<16xf32>,
        %gather3A_377 = tpu.vector_load_idx %arg5[%broadcast_in_dim3A, %get3A_13] : memref<48x128xf32, #tpu.memory_space<vmem>>[vector<16xi32>, vector<16xi32>], vector<16xf32>,
        %swap3A_378 = arith.index_cast %scan3A_358 : i32 to index
        %swap3A_379 = arith.constant 80 : index
        %swap3A_380 = tpu.vector_load %arg7[%swap3A_378, %swap3A_379] {strides = array<i32>} : memref<48x128xf32, #tpu.memory_space<vmem>>, vector<16xf32>,
        tpu.vector_store %arg7[%swap3A_378, %swap3A_379], %gather3A_377 {strides = array<i32>} : memref<48x128xf32, #tpu.memory_space<vmem>>, vector<16xf32>,
        %gather3A_381 = tpu.vector_load_idx %arg5[%broadcast_in_dim3A, %get3A_15] : memref<48x128xf32, #tpu.memory_space<vmem>>[vector<16xi32>, vector<16xi32>], vector<16xf32>,
        %swap3A_382 = arith.index_cast %scan3A_358 : i32 to index
        %swap3A_383 = arith.constant 96 : index
        %swap3A_384 = tpu.vector_load %arg7[%swap3A_382, %swap3A_383] {strides = array<i32>} : memref<48x128xf32, #tpu.memory_space<vmem>>, vector<16xf32>,
        tpu.vector_store %arg7[%swap3A_382, %swap3A_383], %gather3A_381 {strides = array<i32>} : memref<48x128xf32, #tpu.memory_space<vmem>>, vector<16xf32>,
        %gather3A_385 = tpu.vector_load_idx %arg5[%broadcast_in_dim3A, %get3A_17] : memref<48x128xf32, #tpu.memory_space<vmem>>[vector<16xi32>, vector<16xi32>], vector<16xf32>,
        %swap3A_386 = arith.index_cast %scan3A_358 : i32 to index
        %swap3A_387 = arith.constant 112 : index
        %swap3A_388 = tpu.vector_load %arg7[%swap3A_386, %swap3A_387] {strides = array<i32>} : memref<48x128xf32, #tpu.memory_space<vmem>>, vector<16xf32>,
        tpu.vector_store %arg7[%swap3A_386, %swap3A_387], %gather3A_385 {strides = array<i32>} : memref<48x128xf32, #tpu.memory_space<vmem>>, vector<16xf32>,
        %scan3A_389 = arith.constant 1 : i32
        %scan3A_390 = arith.addi %scan3A_358, %scan3A_389 : i32
        %broadcast_in_dim3A_391 = vector.broadcast %scan3A_390 : i32 to vector<16xi32>
        %gather3A_392 = tpu.vector_load_idx %arg5[%broadcast_in_dim3A_391, %get3A_3] : memref<48x128xf32, #tpu.memory_space<vmem>>[vector<16xi32>, vector<16xi32>], vector<16xf32>,
        %swap3A_393 = arith.index_cast %scan3A_390 : i32 to index
        %swap3A_394 = arith.constant 0 : index
        %swap3A_395 = tpu.vector_load %arg7[%swap3A_393, %swap3A_394] {strides = array<i32>} : memref<48x128xf32, #tpu.memory_space<vmem>>, vector<16xf32>,
        tpu.vector_store %arg7[%swap3A_393, %swap3A_394], %gather3A_392 {strides = array<i32>} : memref<48x128xf32, #tpu.memory_space<vmem>>, vector<16xf32>,
        %gather3A_396 = tpu.vector_load_idx %arg5[%broadcast_in_dim3A_391, %get3A_5] : memref<48x128xf32, #tpu.memory_space<vmem>>[vector<16xi32>, vector<16xi32>], vector<16xf32>,
        %swap3A_397 = arith.index_cast %scan3A_390 : i32 to index
        %swap3A_398 = arith.constant 16 : index
        %swap3A_399 = tpu.vector_load %arg7[%swap3A_397, %swap3A_398] {strides = array<i32>} : memref<48x128xf32, #tpu.memory_space<vmem>>, vector<16xf32>,
        tpu.vector_store %arg7[%swap3A_397, %swap3A_398], %gather3A_396 {strides = array<i32>} : memref<48x128xf32, #tpu.memory_space<vmem>>, vector<16xf32>,
        %gather3A_400 = tpu.vector_load_idx %arg5[%broadcast_in_dim3A_391, %get3A_7] : memref<48x128xf32, #tpu.memory_space<vmem>>[vector<16xi32>, vector<16xi32>], vector<16xf32>,
        %swap3A_401 = arith.index_cast %scan3A_390 : i32 to index
        %swap3A_402 = arith.constant 32 : index
        %swap3A_403 = tpu.vector_load %arg7[%swap3A_401, %swap3A_402] {strides = array<i32>} : memref<48x128xf32, #tpu.memory_space<vmem>>, vector<16xf32>,
        tpu.vector_store %arg7[%swap3A_401, %swap3A_402], %gather3A_400 {strides = array<i32>} : memref<48x128xf32, #tpu.memory_space<vmem>>, vector<16xf32>,
        %gather3A_404 = tpu.vector_load_idx %arg5[%broadcast_in_dim3A_391, %get3A_9] : memref<48x128xf32, #tpu.memory_space<vmem>>[vector<16xi32>, vector<16xi32>], vector<16xf32>,
        %swap3A_405 = arith.index_cast %scan3A_390 : i32 to index
        %swap3A_406 = arith.constant 48 : index
        %swap3A_407 = tpu.vector_load %arg7[%swap3A_405, %swap3A_406] {strides = array<i32>} : memref<48x128xf32, #tpu.memory_space<vmem>>, vector<16xf32>,
        tpu.vector_store %arg7[%swap3A_405, %swap3A_406], %gather3A_404 {strides = array<i32>} : memref<48x128xf32, #tpu.memory_space<vmem>>, vector<16xf32>,
        %gather3A_408 = tpu.vector_load_idx %arg5[%broadcast_in_dim3A_391, %get3A_11] : memref<48x128xf32, #tpu.memory_space<vmem>>[vector<16xi32>, vector<16xi32>], vector<16xf32>,
        %swap3A_409 = arith.index_cast %scan3A_390 : i32 to index
        %swap3A_410 = arith.constant 64 : index
        %swap3A_411 = tpu.vector_load %arg7[%swap3A_409, %swap3A_410] {strides = array<i32>} : memref<48x128xf32, #tpu.memory_space<vmem>>, vector<16xf32>,
        tpu.vector_store %arg7[%swap3A_409, %swap3A_410], %gather3A_408 {strides = array<i32>} : memref<48x128xf32, #tpu.memory_space<vmem>>, vector<16xf32>,
        %gather3A_412 = tpu.vector_load_idx %arg5[%broadcast_in_dim3A_391, %get3A_13] : memref<48x128xf32, #tpu.memory_space<vmem>>[vector<16xi32>, vector<16xi32>], vector<16xf32>,
        %swap3A_413 = arith.index_cast %scan3A_390 : i32 to index
        %swap3A_414 = arith.constant 80 : index
        %swap3A_415 = tpu.vector_load %arg7[%swap3A_413, %swap3A_414] {strides = array<i32>} : memref<48x128xf32, #tpu.memory_space<vmem>>, vector<16xf32>,
        tpu.vector_store %arg7[%swap3A_413, %swap3A_414], %gather3A_412 {strides = array<i32>} : memref<48x128xf32, #tpu.memory_space<vmem>>, vector<16xf32>,
        %gather3A_416 = tpu.vector_load_idx %arg5[%broadcast_in_dim3A_391, %get3A_15] : memref<48x128xf32, #tpu.memory_space<vmem>>[vector<16xi32>, vector<16xi32>], vector<16xf32>,
        %swap3A_417 = arith.index_cast %scan3A_390 : i32 to index
        %swap3A_418 = arith.constant 96 : index
        %swap3A_419 = tpu.vector_load %arg7[%swap3A_417, %swap3A_418] {strides = array<i32>} : memref<48x128xf32, #tpu.memory_space<vmem>>, vector<16xf32>,
        tpu.vector_store %arg7[%swap3A_417, %swap3A_418], %gather3A_416 {strides = array<i32>} : memref<48x128xf32, #tpu.memory_space<vmem>>, vector<16xf32>,
        %gather3A_420 = tpu.vector_load_idx %arg5[%broadcast_in_dim3A_391, %get3A_17] : memref<48x128xf32, #tpu.memory_space<vmem>>[vector<16xi32>, vector<16xi32>], vector<16xf32>,
        %swap3A_421 = arith.index_cast %scan3A_390 : i32 to index
        %swap3A_422 = arith.constant 112 : index
        %swap3A_423 = tpu.vector_load %arg7[%swap3A_421, %swap3A_422] {strides = array<i32>} : memref<48x128xf32, #tpu.memory_space<vmem>>, vector<16xf32>,
        tpu.vector_store %arg7[%swap3A_421, %swap3A_422], %gather3A_420 {strides = array<i32>} : memref<48x128xf32, #tpu.memory_space<vmem>>, vector<16xf32>,
      }
      %scan3A_130 = arith.constant 48 : i32
      %shift_right_logical3A_131 = arith.constant 1 : i32
      %shift_right_logical3A_132 = arith.shrui %add3A_113, %shift_right_logical3A_131 : i32
      %add3A_133 = arith.addi %mul3A_2, %shift_right_logical3A_132 : i32
      %rem3A_134 = arith.constant 2 : i32
      %rem3A_135 = arith.remsi %add3A_113, %rem3A_134 : i32
      %mul3A_136 = arith.constant 48 : i32
      %mul3A_137 = arith.muli %rem3A_135, %mul3A_136 : i32
      %dma_start3A_138 = arith.constant 0 : i32
      %dma_start3A_139 = tpu.memref_slice %arg4[%add3A_133, %mul3A_137, %dma_start3A_138] : memref<4096x100x128xf32, #tpu.memory_space<hbm>> -> memref<1x48x128xf32, #tpu.memory_space<hbm>>
      %dma_start3A_140 = tpu.memref_squeeze %dma_start3A_139 : memref<1x48x128xf32, #tpu.memory_space<hbm>> -> memref<48x128xf32, #tpu.memory_space<hbm>>
      %dma_start3A_141 = arith.constant 0 : i32
      %dma_start3A_142 = tpu.memref_slice %arg4[%add3A_133, %mul3A_137, %dma_start3A_141] : memref<4096x100x128xf32, #tpu.memory_space<hbm>> -> memref<1x48x128xf32, #tpu.memory_space<hbm>>
      %dma_start3A_143 = tpu.memref_squeeze %dma_start3A_142 : memref<1x48x128xf32, #tpu.memory_space<hbm>> -> memref<48x128xf32, #tpu.memory_space<hbm>>
      tpu.enqueue_dma source(%arg7 : memref<48x128xf32, #tpu.memory_space<vmem>>) target(%dma_start3A_143 : memref<48x128xf32, #tpu.memory_space<hbm>>) target_semaphore(%arg15 : memref<!tpu.dma_semaphore, #tpu.memory_space<semaphore_mem>>)
      %add3A_144 = arith.constant 2 : i32
      %add3A_145 = arith.addi %add3A_113, %add3A_144 : i32
      %lt3A = arith.constant 256 : i32
      %lt3A_146 = arith.cmpi slt, %add3A_145, %lt3A : i32
      %convert_element_type3A_147 = arith.extui %lt3A_146 : i1 to i32
      %cond3A_148 = arith.constant 0 : i32
      %cond3A_149 = arith.cmpi ne, %convert_element_type3A_147, %cond3A_148 : i32
      scf.if %cond3A_149 {
        %add3A_358 = arith.constant 2 : i32
        %add3A_359 = arith.addi %add3A_113, %add3A_358 : i32
        %shift_right_logical3A_360 = arith.constant 1 : i32
        %shift_right_logical3A_361 = arith.shrui %add3A_359, %shift_right_logical3A_360 : i32
        %add3A_362 = arith.addi %mul3A_2, %shift_right_logical3A_361 : i32
        %rem3A_363 = arith.constant 2 : i32
        %rem3A_364 = arith.remsi %add3A_359, %rem3A_363 : i32
        %mul3A_365 = arith.constant 48 : i32
        %mul3A_366 = arith.muli %rem3A_364, %mul3A_365 : i32
        %dma_start3A_367 = arith.constant 0 : i32
        %dma_start3A_368 = tpu.memref_slice %arg2[%add3A_362, %mul3A_366, %dma_start3A_367] : memref<4096x100x128xf32, #tpu.memory_space<hbm>> -> memref<1x48x128xf32, #tpu.memory_space<hbm>>
        %dma_start3A_369 = tpu.memref_squeeze %dma_start3A_368 : memref<1x48x128xf32, #tpu.memory_space<hbm>> -> memref<48x128xf32, #tpu.memory_space<hbm>>
        %dma_start3A_370 = arith.constant 0 : i32
        %dma_start3A_371 = tpu.memref_slice %arg2[%add3A_362, %mul3A_366, %dma_start3A_370] : memref<4096x100x128xf32, #tpu.memory_space<hbm>> -> memref<1x48x128xf32, #tpu.memory_space<hbm>>
        %dma_start3A_372 = tpu.memref_squeeze %dma_start3A_371 : memref<1x48x128xf32, #tpu.memory_space<hbm>> -> memref<48x128xf32, #tpu.memory_space<hbm>>
        tpu.enqueue_dma source(%dma_start3A_372 : memref<48x128xf32, #tpu.memory_space<hbm>>) target(%arg5 : memref<48x128xf32, #tpu.memory_space<vmem>>) target_semaphore(%arg13 : memref<!tpu.dma_semaphore, #tpu.memory_space<semaphore_mem>>)
      } else {
      }
      %mul3A_150 = arith.constant 2 : i32
      %mul3A_151 = arith.muli %mul3A_150, %add3A_109 : i32
      %add3A_152 = arith.constant 1 : i32
      %add3A_153 = arith.addi %mul3A_151, %add3A_152 : i32
      %dma_wait3A_154 = arith.constant 0 : i32
      %dma_wait3A_155 = arith.constant 0 : i32
      %dma_wait3A_156 = arith.constant 0 : i32
      %dma_wait3A_157 = tpu.memref_slice %arg2[%dma_wait3A_154, %dma_wait3A_155, %dma_wait3A_156] : memref<4096x100x128xf32, #tpu.memory_space<hbm>> -> memref<1x48x128xf32, #tpu.memory_space<hbm>>
      %dma_wait3A_158 = tpu.memref_squeeze %dma_wait3A_157 : memref<1x48x128xf32, #tpu.memory_space<hbm>> -> memref<48x128xf32, #tpu.memory_space<hbm>>
      %dma_wait3A_159 = arith.constant 0 : i32
      %dma_wait3A_160 = arith.constant 0 : i32
      %dma_wait3A_161 = tpu.memref_slice %arg2[%dma_wait3A_154, %dma_wait3A_159, %dma_wait3A_160] : memref<4096x100x128xf32, #tpu.memory_space<hbm>> -> memref<1x48x128xf32, #tpu.memory_space<hbm>>
      %dma_wait3A_162 = tpu.memref_squeeze %dma_wait3A_161 : memref<1x48x128xf32, #tpu.memory_space<hbm>> -> memref<48x128xf32, #tpu.memory_space<hbm>>
      tpu.wait_dma2 semaphore(%arg14 : memref<!tpu.dma_semaphore, #tpu.memory_space<semaphore_mem>>) src(%dma_wait3A_162 : memref<48x128xf32, #tpu.memory_space<hbm>>) dst(%arg6 : memref<48x128xf32, #tpu.memory_space<vmem>>)
      %gt3A_163 = arith.constant 1 : i32
      %gt3A_164 = arith.cmpi sgt, %add3A_153, %gt3A_163 : i32
      %convert_element_type3A_165 = arith.extui %gt3A_164 : i1 to i32
      %cond3A_166 = arith.constant 0 : i32
      %cond3A_167 = arith.cmpi ne, %convert_element_type3A_165, %cond3A_166 : i32
      scf.if %cond3A_167 {
        %dma_wait3A_358 = arith.constant 0 : i32
        %dma_wait3A_359 = arith.constant 0 : i32
        %dma_wait3A_360 = arith.constant 0 : i32
        %dma_wait3A_361 = tpu.memref_slice %arg4[%dma_wait3A_358, %dma_wait3A_359, %dma_wait3A_360] : memref<4096x100x128xf32, #tpu.memory_space<hbm>> -> memref<1x48x128xf32, #tpu.memory_space<hbm>>
        %dma_wait3A_362 = tpu.memref_squeeze %dma_wait3A_361 : memref<1x48x128xf32, #tpu.memory_space<hbm>> -> memref<48x128xf32, #tpu.memory_space<hbm>>
        %dma_wait3A_363 = arith.constant 0 : i32
        %dma_wait3A_364 = arith.constant 0 : i32
        %dma_wait3A_365 = tpu.memref_slice %arg4[%dma_wait3A_358, %dma_wait3A_363, %dma_wait3A_364] : memref<4096x100x128xf32, #tpu.memory_space<hbm>> -> memref<1x48x128xf32, #tpu.memory_space<hbm>>
        %dma_wait3A_366 = tpu.memref_squeeze %dma_wait3A_365 : memref<1x48x128xf32, #tpu.memory_space<hbm>> -> memref<48x128xf32, #tpu.memory_space<hbm>>
        tpu.wait_dma2 semaphore(%arg16 : memref<!tpu.dma_semaphore, #tpu.memory_space<semaphore_mem>>) src(%arg8 : memref<48x128xf32, #tpu.memory_space<vmem>>) dst(%dma_wait3A_366 : memref<48x128xf32, #tpu.memory_space<hbm>>)
      } else {
      }
      %scan3A_168 = arith.constant 0 : i32
      %scan3A_169 = arith.constant 0 : i32
      %scan3A_170 = arith.constant 48 : i32
      %scan3A_171 = arith.addi %scan3A_169, %scan3A_170 : i32
      %scan3A_172 = arith.constant 2 : i32
      scf.for %scan3A_358 = %scan3A_169 to %scan3A_171 step %scan3A_172  : i32 {
        %broadcast_in_dim3A = vector.broadcast %scan3A_358 : i32 to vector<16xi32>
        %gather3A = tpu.vector_load_idx %arg6[%broadcast_in_dim3A, %get3A_3] : memref<48x128xf32, #tpu.memory_space<vmem>>[vector<16xi32>, vector<16xi32>], vector<16xf32>,
        %swap3A = arith.index_cast %scan3A_358 : i32 to index
        %swap3A_359 = arith.constant 0 : index
        %swap3A_360 = tpu.vector_load %arg8[%swap3A, %swap3A_359] {strides = array<i32>} : memref<48x128xf32, #tpu.memory_space<vmem>>, vector<16xf32>,
        tpu.vector_store %arg8[%swap3A, %swap3A_359], %gather3A {strides = array<i32>} : memref<48x128xf32, #tpu.memory_space<vmem>>, vector<16xf32>,
        %gather3A_361 = tpu.vector_load_idx %arg6[%broadcast_in_dim3A, %get3A_5] : memref<48x128xf32, #tpu.memory_space<vmem>>[vector<16xi32>, vector<16xi32>], vector<16xf32>,
        %swap3A_362 = arith.index_cast %scan3A_358 : i32 to index
        %swap3A_363 = arith.constant 16 : index
        %swap3A_364 = tpu.vector_load %arg8[%swap3A_362, %swap3A_363] {strides = array<i32>} : memref<48x128xf32, #tpu.memory_space<vmem>>, vector<16xf32>,
        tpu.vector_store %arg8[%swap3A_362, %swap3A_363], %gather3A_361 {strides = array<i32>} : memref<48x128xf32, #tpu.memory_space<vmem>>, vector<16xf32>,
        %gather3A_365 = tpu.vector_load_idx %arg6[%broadcast_in_dim3A, %get3A_7] : memref<48x128xf32, #tpu.memory_space<vmem>>[vector<16xi32>, vector<16xi32>], vector<16xf32>,
        %swap3A_366 = arith.index_cast %scan3A_358 : i32 to index
        %swap3A_367 = arith.constant 32 : index
        %swap3A_368 = tpu.vector_load %arg8[%swap3A_366, %swap3A_367] {strides = array<i32>} : memref<48x128xf32, #tpu.memory_space<vmem>>, vector<16xf32>,
        tpu.vector_store %arg8[%swap3A_366, %swap3A_367], %gather3A_365 {strides = array<i32>} : memref<48x128xf32, #tpu.memory_space<vmem>>, vector<16xf32>,
        %gather3A_369 = tpu.vector_load_idx %arg6[%broadcast_in_dim3A, %get3A_9] : memref<48x128xf32, #tpu.memory_space<vmem>>[vector<16xi32>, vector<16xi32>], vector<16xf32>,
        %swap3A_370 = arith.index_cast %scan3A_358 : i32 to index
        %swap3A_371 = arith.constant 48 : index
        %swap3A_372 = tpu.vector_load %arg8[%swap3A_370, %swap3A_371] {strides = array<i32>} : memref<48x128xf32, #tpu.memory_space<vmem>>, vector<16xf32>,
        tpu.vector_store %arg8[%swap3A_370, %swap3A_371], %gather3A_369 {strides = array<i32>} : memref<48x128xf32, #tpu.memory_space<vmem>>, vector<16xf32>,
        %gather3A_373 = tpu.vector_load_idx %arg6[%broadcast_in_dim3A, %get3A_11] : memref<48x128xf32, #tpu.memory_space<vmem>>[vector<16xi32>, vector<16xi32>], vector<16xf32>,
        %swap3A_374 = arith.index_cast %scan3A_358 : i32 to index
        %swap3A_375 = arith.constant 64 : index
        %swap3A_376 = tpu.vector_load %arg8[%swap3A_374, %swap3A_375] {strides = array<i32>} : memref<48x128xf32, #tpu.memory_space<vmem>>, vector<16xf32>,
        tpu.vector_store %arg8[%swap3A_374, %swap3A_375], %gather3A_373 {strides = array<i32>} : memref<48x128xf32, #tpu.memory_space<vmem>>, vector<16xf32>,
        %gather3A_377 = tpu.vector_load_idx %arg6[%broadcast_in_dim3A, %get3A_13] : memref<48x128xf32, #tpu.memory_space<vmem>>[vector<16xi32>, vector<16xi32>], vector<16xf32>,
        %swap3A_378 = arith.index_cast %scan3A_358 : i32 to index
        %swap3A_379 = arith.constant 80 : index
        %swap3A_380 = tpu.vector_load %arg8[%swap3A_378, %swap3A_379] {strides = array<i32>} : memref<48x128xf32, #tpu.memory_space<vmem>>, vector<16xf32>,
        tpu.vector_store %arg8[%swap3A_378, %swap3A_379], %gather3A_377 {strides = array<i32>} : memref<48x128xf32, #tpu.memory_space<vmem>>, vector<16xf32>,
        %gather3A_381 = tpu.vector_load_idx %arg6[%broadcast_in_dim3A, %get3A_15] : memref<48x128xf32, #tpu.memory_space<vmem>>[vector<16xi32>, vector<16xi32>], vector<16xf32>,
        %swap3A_382 = arith.index_cast %scan3A_358 : i32 to index
        %swap3A_383 = arith.constant 96 : index
        %swap3A_384 = tpu.vector_load %arg8[%swap3A_382, %swap3A_383] {strides = array<i32>} : memref<48x128xf32, #tpu.memory_space<vmem>>, vector<16xf32>,
        tpu.vector_store %arg8[%swap3A_382, %swap3A_383], %gather3A_381 {strides = array<i32>} : memref<48x128xf32, #tpu.memory_space<vmem>>, vector<16xf32>,
        %gather3A_385 = tpu.vector_load_idx %arg6[%broadcast_in_dim3A, %get3A_17] : memref<48x128xf32, #tpu.memory_space<vmem>>[vector<16xi32>, vector<16xi32>], vector<16xf32>,
        %swap3A_386 = arith.index_cast %scan3A_358 : i32 to index
        %swap3A_387 = arith.constant 112 : index
        %swap3A_388 = tpu.vector_load %arg8[%swap3A_386, %swap3A_387] {strides = array<i32>} : memref<48x128xf32, #tpu.memory_space<vmem>>, vector<16xf32>,
        tpu.vector_store %arg8[%swap3A_386, %swap3A_387], %gather3A_385 {strides = array<i32>} : memref<48x128xf32, #tpu.memory_space<vmem>>, vector<16xf32>,
        %scan3A_389 = arith.constant 1 : i32
        %scan3A_390 = arith.addi %scan3A_358, %scan3A_389 : i32
        %broadcast_in_dim3A_391 = vector.broadcast %scan3A_390 : i32 to vector<16xi32>
        %gather3A_392 = tpu.vector_load_idx %arg6[%broadcast_in_dim3A_391, %get3A_3] : memref<48x128xf32, #tpu.memory_space<vmem>>[vector<16xi32>, vector<16xi32>], vector<16xf32>,
        %swap3A_393 = arith.index_cast %scan3A_390 : i32 to index
        %swap3A_394 = arith.constant 0 : index
        %swap3A_395 = tpu.vector_load %arg8[%swap3A_393, %swap3A_394] {strides = array<i32>} : memref<48x128xf32, #tpu.memory_space<vmem>>, vector<16xf32>,
        tpu.vector_store %arg8[%swap3A_393, %swap3A_394], %gather3A_392 {strides = array<i32>} : memref<48x128xf32, #tpu.memory_space<vmem>>, vector<16xf32>,
        %gather3A_396 = tpu.vector_load_idx %arg6[%broadcast_in_dim3A_391, %get3A_5] : memref<48x128xf32, #tpu.memory_space<vmem>>[vector<16xi32>, vector<16xi32>], vector<16xf32>,
        %swap3A_397 = arith.index_cast %scan3A_390 : i32 to index
        %swap3A_398 = arith.constant 16 : index
        %swap3A_399 = tpu.vector_load %arg8[%swap3A_397, %swap3A_398] {strides = array<i32>} : memref<48x128xf32, #tpu.memory_space<vmem>>, vector<16xf32>,
        tpu.vector_store %arg8[%swap3A_397, %swap3A_398], %gather3A_396 {strides = array<i32>} : memref<48x128xf32, #tpu.memory_space<vmem>>, vector<16xf32>,
        %gather3A_400 = tpu.vector_load_idx %arg6[%broadcast_in_dim3A_391, %get3A_7] : memref<48x128xf32, #tpu.memory_space<vmem>>[vector<16xi32>, vector<16xi32>], vector<16xf32>,
        %swap3A_401 = arith.index_cast %scan3A_390 : i32 to index
        %swap3A_402 = arith.constant 32 : index
        %swap3A_403 = tpu.vector_load %arg8[%swap3A_401, %swap3A_402] {strides = array<i32>} : memref<48x128xf32, #tpu.memory_space<vmem>>, vector<16xf32>,
        tpu.vector_store %arg8[%swap3A_401, %swap3A_402], %gather3A_400 {strides = array<i32>} : memref<48x128xf32, #tpu.memory_space<vmem>>, vector<16xf32>,
        %gather3A_404 = tpu.vector_load_idx %arg6[%broadcast_in_dim3A_391, %get3A_9] : memref<48x128xf32, #tpu.memory_space<vmem>>[vector<16xi32>, vector<16xi32>], vector<16xf32>,
        %swap3A_405 = arith.index_cast %scan3A_390 : i32 to index
        %swap3A_406 = arith.constant 48 : index
        %swap3A_407 = tpu.vector_load %arg8[%swap3A_405, %swap3A_406] {strides = array<i32>} : memref<48x128xf32, #tpu.memory_space<vmem>>, vector<16xf32>,
        tpu.vector_store %arg8[%swap3A_405, %swap3A_406], %gather3A_404 {strides = array<i32>} : memref<48x128xf32, #tpu.memory_space<vmem>>, vector<16xf32>,
        %gather3A_408 = tpu.vector_load_idx %arg6[%broadcast_in_dim3A_391, %get3A_11] : memref<48x128xf32, #tpu.memory_space<vmem>>[vector<16xi32>, vector<16xi32>], vector<16xf32>,
        %swap3A_409 = arith.index_cast %scan3A_390 : i32 to index
        %swap3A_410 = arith.constant 64 : index
        %swap3A_411 = tpu.vector_load %arg8[%swap3A_409, %swap3A_410] {strides = array<i32>} : memref<48x128xf32, #tpu.memory_space<vmem>>, vector<16xf32>,
        tpu.vector_store %arg8[%swap3A_409, %swap3A_410], %gather3A_408 {strides = array<i32>} : memref<48x128xf32, #tpu.memory_space<vmem>>, vector<16xf32>,
        %gather3A_412 = tpu.vector_load_idx %arg6[%broadcast_in_dim3A_391, %get3A_13] : memref<48x128xf32, #tpu.memory_space<vmem>>[vector<16xi32>, vector<16xi32>], vector<16xf32>,
        %swap3A_413 = arith.index_cast %scan3A_390 : i32 to index
        %swap3A_414 = arith.constant 80 : index
        %swap3A_415 = tpu.vector_load %arg8[%swap3A_413, %swap3A_414] {strides = array<i32>} : memref<48x128xf32, #tpu.memory_space<vmem>>, vector<16xf32>,
        tpu.vector_store %arg8[%swap3A_413, %swap3A_414], %gather3A_412 {strides = array<i32>} : memref<48x128xf32, #tpu.memory_space<vmem>>, vector<16xf32>,
        %gather3A_416 = tpu.vector_load_idx %arg6[%broadcast_in_dim3A_391, %get3A_15] : memref<48x128xf32, #tpu.memory_space<vmem>>[vector<16xi32>, vector<16xi32>], vector<16xf32>,
        %swap3A_417 = arith.index_cast %scan3A_390 : i32 to index
        %swap3A_418 = arith.constant 96 : index
        %swap3A_419 = tpu.vector_load %arg8[%swap3A_417, %swap3A_418] {strides = array<i32>} : memref<48x128xf32, #tpu.memory_space<vmem>>, vector<16xf32>,
        tpu.vector_store %arg8[%swap3A_417, %swap3A_418], %gather3A_416 {strides = array<i32>} : memref<48x128xf32, #tpu.memory_space<vmem>>, vector<16xf32>,
        %gather3A_420 = tpu.vector_load_idx %arg6[%broadcast_in_dim3A_391, %get3A_17] : memref<48x128xf32, #tpu.memory_space<vmem>>[vector<16xi32>, vector<16xi32>], vector<16xf32>,
        %swap3A_421 = arith.index_cast %scan3A_390 : i32 to index
        %swap3A_422 = arith.constant 112 : index
        %swap3A_423 = tpu.vector_load %arg8[%swap3A_421, %swap3A_422] {strides = array<i32>} : memref<48x128xf32, #tpu.memory_space<vmem>>, vector<16xf32>,
        tpu.vector_store %arg8[%swap3A_421, %swap3A_422], %gather3A_420 {strides = array<i32>} : memref<48x128xf32, #tpu.memory_space<vmem>>, vector<16xf32>,
      }
      %scan3A_173 = arith.constant 48 : i32
      %shift_right_logical3A_174 = arith.constant 1 : i32
      %shift_right_logical3A_175 = arith.shrui %add3A_153, %shift_right_logical3A_174 : i32
      %add3A_176 = arith.addi %mul3A_2, %shift_right_logical3A_175 : i32
      %rem3A_177 = arith.constant 2 : i32
      %rem3A_178 = arith.remsi %add3A_153, %rem3A_177 : i32
      %mul3A_179 = arith.constant 48 : i32
      %mul3A_180 = arith.muli %rem3A_178, %mul3A_179 : i32
      %dma_start3A_181 = arith.constant 0 : i32
      %dma_start3A_182 = tpu.memref_slice %arg4[%add3A_176, %mul3A_180, %dma_start3A_181] : memref<4096x100x128xf32, #tpu.memory_space<hbm>> -> memref<1x48x128xf32, #tpu.memory_space<hbm>>
      %dma_start3A_183 = tpu.memref_squeeze %dma_start3A_182 : memref<1x48x128xf32, #tpu.memory_space<hbm>> -> memref<48x128xf32, #tpu.memory_space<hbm>>
      %dma_start3A_184 = arith.constant 0 : i32
      %dma_start3A_185 = tpu.memref_slice %arg4[%add3A_176, %mul3A_180, %dma_start3A_184] : memref<4096x100x128xf32, #tpu.memory_space<hbm>> -> memref<1x48x128xf32, #tpu.memory_space<hbm>>
      %dma_start3A_186 = tpu.memref_squeeze %dma_start3A_185 : memref<1x48x128xf32, #tpu.memory_space<hbm>> -> memref<48x128xf32, #tpu.memory_space<hbm>>
      tpu.enqueue_dma source(%arg8 : memref<48x128xf32, #tpu.memory_space<vmem>>) target(%dma_start3A_186 : memref<48x128xf32, #tpu.memory_space<hbm>>) target_semaphore(%arg16 : memref<!tpu.dma_semaphore, #tpu.memory_space<semaphore_mem>>)
      %add3A_187 = arith.constant 2 : i32
      %add3A_188 = arith.addi %add3A_153, %add3A_187 : i32
      %lt3A_189 = arith.constant 256 : i32
      %lt3A_190 = arith.cmpi slt, %add3A_188, %lt3A_189 : i32
      %convert_element_type3A_191 = arith.extui %lt3A_190 : i1 to i32
      %cond3A_192 = arith.constant 0 : i32
      %cond3A_193 = arith.cmpi ne, %convert_element_type3A_191, %cond3A_192 : i32
      scf.if %cond3A_193 {
        %add3A_358 = arith.constant 2 : i32
        %add3A_359 = arith.addi %add3A_153, %add3A_358 : i32
        %shift_right_logical3A_360 = arith.constant 1 : i32
        %shift_right_logical3A_361 = arith.shrui %add3A_359, %shift_right_logical3A_360 : i32
        %add3A_362 = arith.addi %mul3A_2, %shift_right_logical3A_361 : i32
        %rem3A_363 = arith.constant 2 : i32
        %rem3A_364 = arith.remsi %add3A_359, %rem3A_363 : i32
        %mul3A_365 = arith.constant 48 : i32
        %mul3A_366 = arith.muli %rem3A_364, %mul3A_365 : i32
        %dma_start3A_367 = arith.constant 0 : i32
        %dma_start3A_368 = tpu.memref_slice %arg2[%add3A_362, %mul3A_366, %dma_start3A_367] : memref<4096x100x128xf32, #tpu.memory_space<hbm>> -> memref<1x48x128xf32, #tpu.memory_space<hbm>>
        %dma_start3A_369 = tpu.memref_squeeze %dma_start3A_368 : memref<1x48x128xf32, #tpu.memory_space<hbm>> -> memref<48x128xf32, #tpu.memory_space<hbm>>
        %dma_start3A_370 = arith.constant 0 : i32
        %dma_start3A_371 = tpu.memref_slice %arg2[%add3A_362, %mul3A_366, %dma_start3A_370] : memref<4096x100x128xf32, #tpu.memory_space<hbm>> -> memref<1x48x128xf32, #tpu.memory_space<hbm>>
        %dma_start3A_372 = tpu.memref_squeeze %dma_start3A_371 : memref<1x48x128xf32, #tpu.memory_space<hbm>> -> memref<48x128xf32, #tpu.memory_space<hbm>>
        tpu.enqueue_dma source(%dma_start3A_372 : memref<48x128xf32, #tpu.memory_space<hbm>>) target(%arg6 : memref<48x128xf32, #tpu.memory_space<vmem>>) target_semaphore(%arg14 : memref<!tpu.dma_semaphore, #tpu.memory_space<semaphore_mem>>)
      } else {
      }
      %dma_wait3A_194 = arith.constant 0 : i32
      %dma_wait3A_195 = arith.constant 0 : i32
      %dma_wait3A_196 = arith.constant 0 : i32
      %dma_wait3A_197 = tpu.memref_slice %arg2[%dma_wait3A_194, %dma_wait3A_195, %dma_wait3A_196] : memref<4096x100x128xf32, #tpu.memory_space<hbm>> -> memref<1x4x128xf32, #tpu.memory_space<hbm>>
      %dma_wait3A_198 = tpu.memref_squeeze %dma_wait3A_197 : memref<1x4x128xf32, #tpu.memory_space<hbm>> -> memref<4x128xf32, #tpu.memory_space<hbm>>
      %dma_wait3A_199 = arith.constant 0 : i32
      %dma_wait3A_200 = arith.constant 0 : i32
      %dma_wait3A_201 = tpu.memref_slice %arg2[%dma_wait3A_194, %dma_wait3A_199, %dma_wait3A_200] : memref<4096x100x128xf32, #tpu.memory_space<hbm>> -> memref<1x4x128xf32, #tpu.memory_space<hbm>>
      %dma_wait3A_202 = tpu.memref_squeeze %dma_wait3A_201 : memref<1x4x128xf32, #tpu.memory_space<hbm>> -> memref<4x128xf32, #tpu.memory_space<hbm>>
      tpu.wait_dma2 semaphore(%arg17 : memref<!tpu.dma_semaphore, #tpu.memory_space<semaphore_mem>>) src(%dma_wait3A_202 : memref<4x128xf32, #tpu.memory_space<hbm>>) dst(%arg9 : memref<4x128xf32, #tpu.memory_space<vmem>>)
      %gt3A_203 = arith.constant 1 : i32
      %gt3A_204 = arith.cmpi sgt, %add3A_109, %gt3A_203 : i32
      %convert_element_type3A_205 = arith.extui %gt3A_204 : i1 to i32
      %cond3A_206 = arith.constant 0 : i32
      %cond3A_207 = arith.cmpi ne, %convert_element_type3A_205, %cond3A_206 : i32
      scf.if %cond3A_207 {
        %dma_wait3A_358 = arith.constant 0 : i32
        %dma_wait3A_359 = arith.constant 0 : i32
        %dma_wait3A_360 = arith.constant 0 : i32
        %dma_wait3A_361 = tpu.memref_slice %arg4[%dma_wait3A_358, %dma_wait3A_359, %dma_wait3A_360] : memref<4096x100x128xf32, #tpu.memory_space<hbm>> -> memref<1x4x128xf32, #tpu.memory_space<hbm>>
        %dma_wait3A_362 = tpu.memref_squeeze %dma_wait3A_361 : memref<1x4x128xf32, #tpu.memory_space<hbm>> -> memref<4x128xf32, #tpu.memory_space<hbm>>
        %dma_wait3A_363 = arith.constant 0 : i32
        %dma_wait3A_364 = arith.constant 0 : i32
        %dma_wait3A_365 = tpu.memref_slice %arg4[%dma_wait3A_358, %dma_wait3A_363, %dma_wait3A_364] : memref<4096x100x128xf32, #tpu.memory_space<hbm>> -> memref<1x4x128xf32, #tpu.memory_space<hbm>>
        %dma_wait3A_366 = tpu.memref_squeeze %dma_wait3A_365 : memref<1x4x128xf32, #tpu.memory_space<hbm>> -> memref<4x128xf32, #tpu.memory_space<hbm>>
        tpu.wait_dma2 semaphore(%arg19 : memref<!tpu.dma_semaphore, #tpu.memory_space<semaphore_mem>>) src(%arg11 : memref<4x128xf32, #tpu.memory_space<vmem>>) dst(%dma_wait3A_366 : memref<4x128xf32, #tpu.memory_space<hbm>>)
      } else {
      }
      %scan3A_208 = arith.constant 0 : i32
      %scan3A_209 = arith.constant 0 : i32
      %scan3A_210 = arith.constant 4 : i32
      %scan3A_211 = arith.addi %scan3A_209, %scan3A_210 : i32
      %scan3A_212 = arith.constant 2 : i32
      scf.for %scan3A_358 = %scan3A_209 to %scan3A_211 step %scan3A_212  : i32 {
        %broadcast_in_dim3A = vector.broadcast %scan3A_358 : i32 to vector<16xi32>
        %gather3A = tpu.vector_load_idx %arg9[%broadcast_in_dim3A, %get3A_3] : memref<4x128xf32, #tpu.memory_space<vmem>>[vector<16xi32>, vector<16xi32>], vector<16xf32>,
        %swap3A = arith.index_cast %scan3A_358 : i32 to index
        %swap3A_359 = arith.constant 0 : index
        %swap3A_360 = tpu.vector_load %arg11[%swap3A, %swap3A_359] {strides = array<i32>} : memref<4x128xf32, #tpu.memory_space<vmem>>, vector<16xf32>,
        tpu.vector_store %arg11[%swap3A, %swap3A_359], %gather3A {strides = array<i32>} : memref<4x128xf32, #tpu.memory_space<vmem>>, vector<16xf32>,
        %gather3A_361 = tpu.vector_load_idx %arg9[%broadcast_in_dim3A, %get3A_5] : memref<4x128xf32, #tpu.memory_space<vmem>>[vector<16xi32>, vector<16xi32>], vector<16xf32>,
        %swap3A_362 = arith.index_cast %scan3A_358 : i32 to index
        %swap3A_363 = arith.constant 16 : index
        %swap3A_364 = tpu.vector_load %arg11[%swap3A_362, %swap3A_363] {strides = array<i32>} : memref<4x128xf32, #tpu.memory_space<vmem>>, vector<16xf32>,
        tpu.vector_store %arg11[%swap3A_362, %swap3A_363], %gather3A_361 {strides = array<i32>} : memref<4x128xf32, #tpu.memory_space<vmem>>, vector<16xf32>,
        %gather3A_365 = tpu.vector_load_idx %arg9[%broadcast_in_dim3A, %get3A_7] : memref<4x128xf32, #tpu.memory_space<vmem>>[vector<16xi32>, vector<16xi32>], vector<16xf32>,
        %swap3A_366 = arith.index_cast %scan3A_358 : i32 to index
        %swap3A_367 = arith.constant 32 : index
        %swap3A_368 = tpu.vector_load %arg11[%swap3A_366, %swap3A_367] {strides = array<i32>} : memref<4x128xf32, #tpu.memory_space<vmem>>, vector<16xf32>,
        tpu.vector_store %arg11[%swap3A_366, %swap3A_367], %gather3A_365 {strides = array<i32>} : memref<4x128xf32, #tpu.memory_space<vmem>>, vector<16xf32>,
        %gather3A_369 = tpu.vector_load_idx %arg9[%broadcast_in_dim3A, %get3A_9] : memref<4x128xf32, #tpu.memory_space<vmem>>[vector<16xi32>, vector<16xi32>], vector<16xf32>,
        %swap3A_370 = arith.index_cast %scan3A_358 : i32 to index
        %swap3A_371 = arith.constant 48 : index
        %swap3A_372 = tpu.vector_load %arg11[%swap3A_370, %swap3A_371] {strides = array<i32>} : memref<4x128xf32, #tpu.memory_space<vmem>>, vector<16xf32>,
        tpu.vector_store %arg11[%swap3A_370, %swap3A_371], %gather3A_369 {strides = array<i32>} : memref<4x128xf32, #tpu.memory_space<vmem>>, vector<16xf32>,
        %gather3A_373 = tpu.vector_load_idx %arg9[%broadcast_in_dim3A, %get3A_11] : memref<4x128xf32, #tpu.memory_space<vmem>>[vector<16xi32>, vector<16xi32>], vector<16xf32>,
        %swap3A_374 = arith.index_cast %scan3A_358 : i32 to index
        %swap3A_375 = arith.constant 64 : index
        %swap3A_376 = tpu.vector_load %arg11[%swap3A_374, %swap3A_375] {strides = array<i32>} : memref<4x128xf32, #tpu.memory_space<vmem>>, vector<16xf32>,
        tpu.vector_store %arg11[%swap3A_374, %swap3A_375], %gather3A_373 {strides = array<i32>} : memref<4x128xf32, #tpu.memory_space<vmem>>, vector<16xf32>,
        %gather3A_377 = tpu.vector_load_idx %arg9[%broadcast_in_dim3A, %get3A_13] : memref<4x128xf32, #tpu.memory_space<vmem>>[vector<16xi32>, vector<16xi32>], vector<16xf32>,
        %swap3A_378 = arith.index_cast %scan3A_358 : i32 to index
        %swap3A_379 = arith.constant 80 : index
        %swap3A_380 = tpu.vector_load %arg11[%swap3A_378, %swap3A_379] {strides = array<i32>} : memref<4x128xf32, #tpu.memory_space<vmem>>, vector<16xf32>,
        tpu.vector_store %arg11[%swap3A_378, %swap3A_379], %gather3A_377 {strides = array<i32>} : memref<4x128xf32, #tpu.memory_space<vmem>>, vector<16xf32>,
        %gather3A_381 = tpu.vector_load_idx %arg9[%broadcast_in_dim3A, %get3A_15] : memref<4x128xf32, #tpu.memory_space<vmem>>[vector<16xi32>, vector<16xi32>], vector<16xf32>,
        %swap3A_382 = arith.index_cast %scan3A_358 : i32 to index
        %swap3A_383 = arith.constant 96 : index
        %swap3A_384 = tpu.vector_load %arg11[%swap3A_382, %swap3A_383] {strides = array<i32>} : memref<4x128xf32, #tpu.memory_space<vmem>>, vector<16xf32>,
        tpu.vector_store %arg11[%swap3A_382, %swap3A_383], %gather3A_381 {strides = array<i32>} : memref<4x128xf32, #tpu.memory_space<vmem>>, vector<16xf32>,
        %gather3A_385 = tpu.vector_load_idx %arg9[%broadcast_in_dim3A, %get3A_17] : memref<4x128xf32, #tpu.memory_space<vmem>>[vector<16xi32>, vector<16xi32>], vector<16xf32>,
        %swap3A_386 = arith.index_cast %scan3A_358 : i32 to index
        %swap3A_387 = arith.constant 112 : index
        %swap3A_388 = tpu.vector_load %arg11[%swap3A_386, %swap3A_387] {strides = array<i32>} : memref<4x128xf32, #tpu.memory_space<vmem>>, vector<16xf32>,
        tpu.vector_store %arg11[%swap3A_386, %swap3A_387], %gather3A_385 {strides = array<i32>} : memref<4x128xf32, #tpu.memory_space<vmem>>, vector<16xf32>,
        %scan3A_389 = arith.constant 1 : i32
        %scan3A_390 = arith.addi %scan3A_358, %scan3A_389 : i32
        %broadcast_in_dim3A_391 = vector.broadcast %scan3A_390 : i32 to vector<16xi32>
        %gather3A_392 = tpu.vector_load_idx %arg9[%broadcast_in_dim3A_391, %get3A_3] : memref<4x128xf32, #tpu.memory_space<vmem>>[vector<16xi32>, vector<16xi32>], vector<16xf32>,
        %swap3A_393 = arith.index_cast %scan3A_390 : i32 to index
        %swap3A_394 = arith.constant 0 : index
        %swap3A_395 = tpu.vector_load %arg11[%swap3A_393, %swap3A_394] {strides = array<i32>} : memref<4x128xf32, #tpu.memory_space<vmem>>, vector<16xf32>,
        tpu.vector_store %arg11[%swap3A_393, %swap3A_394], %gather3A_392 {strides = array<i32>} : memref<4x128xf32, #tpu.memory_space<vmem>>, vector<16xf32>,
        %gather3A_396 = tpu.vector_load_idx %arg9[%broadcast_in_dim3A_391, %get3A_5] : memref<4x128xf32, #tpu.memory_space<vmem>>[vector<16xi32>, vector<16xi32>], vector<16xf32>,
        %swap3A_397 = arith.index_cast %scan3A_390 : i32 to index
        %swap3A_398 = arith.constant 16 : index
        %swap3A_399 = tpu.vector_load %arg11[%swap3A_397, %swap3A_398] {strides = array<i32>} : memref<4x128xf32, #tpu.memory_space<vmem>>, vector<16xf32>,
        tpu.vector_store %arg11[%swap3A_397, %swap3A_398], %gather3A_396 {strides = array<i32>} : memref<4x128xf32, #tpu.memory_space<vmem>>, vector<16xf32>,
        %gather3A_400 = tpu.vector_load_idx %arg9[%broadcast_in_dim3A_391, %get3A_7] : memref<4x128xf32, #tpu.memory_space<vmem>>[vector<16xi32>, vector<16xi32>], vector<16xf32>,
        %swap3A_401 = arith.index_cast %scan3A_390 : i32 to index
        %swap3A_402 = arith.constant 32 : index
        %swap3A_403 = tpu.vector_load %arg11[%swap3A_401, %swap3A_402] {strides = array<i32>} : memref<4x128xf32, #tpu.memory_space<vmem>>, vector<16xf32>,
        tpu.vector_store %arg11[%swap3A_401, %swap3A_402], %gather3A_400 {strides = array<i32>} : memref<4x128xf32, #tpu.memory_space<vmem>>, vector<16xf32>,
        %gather3A_404 = tpu.vector_load_idx %arg9[%broadcast_in_dim3A_391, %get3A_9] : memref<4x128xf32, #tpu.memory_space<vmem>>[vector<16xi32>, vector<16xi32>], vector<16xf32>,
        %swap3A_405 = arith.index_cast %scan3A_390 : i32 to index
        %swap3A_406 = arith.constant 48 : index
        %swap3A_407 = tpu.vector_load %arg11[%swap3A_405, %swap3A_406] {strides = array<i32>} : memref<4x128xf32, #tpu.memory_space<vmem>>, vector<16xf32>,
        tpu.vector_store %arg11[%swap3A_405, %swap3A_406], %gather3A_404 {strides = array<i32>} : memref<4x128xf32, #tpu.memory_space<vmem>>, vector<16xf32>,
        %gather3A_408 = tpu.vector_load_idx %arg9[%broadcast_in_dim3A_391, %get3A_11] : memref<4x128xf32, #tpu.memory_space<vmem>>[vector<16xi32>, vector<16xi32>], vector<16xf32>,
        %swap3A_409 = arith.index_cast %scan3A_390 : i32 to index
        %swap3A_410 = arith.constant 64 : index
        %swap3A_411 = tpu.vector_load %arg11[%swap3A_409, %swap3A_410] {strides = array<i32>} : memref<4x128xf32, #tpu.memory_space<vmem>>, vector<16xf32>,
        tpu.vector_store %arg11[%swap3A_409, %swap3A_410], %gather3A_408 {strides = array<i32>} : memref<4x128xf32, #tpu.memory_space<vmem>>, vector<16xf32>,
        %gather3A_412 = tpu.vector_load_idx %arg9[%broadcast_in_dim3A_391, %get3A_13] : memref<4x128xf32, #tpu.memory_space<vmem>>[vector<16xi32>, vector<16xi32>], vector<16xf32>,
        %swap3A_413 = arith.index_cast %scan3A_390 : i32 to index
        %swap3A_414 = arith.constant 80 : index
        %swap3A_415 = tpu.vector_load %arg11[%swap3A_413, %swap3A_414] {strides = array<i32>} : memref<4x128xf32, #tpu.memory_space<vmem>>, vector<16xf32>,
        tpu.vector_store %arg11[%swap3A_413, %swap3A_414], %gather3A_412 {strides = array<i32>} : memref<4x128xf32, #tpu.memory_space<vmem>>, vector<16xf32>,
        %gather3A_416 = tpu.vector_load_idx %arg9[%broadcast_in_dim3A_391, %get3A_15] : memref<4x128xf32, #tpu.memory_space<vmem>>[vector<16xi32>, vector<16xi32>], vector<16xf32>,
        %swap3A_417 = arith.index_cast %scan3A_390 : i32 to index
        %swap3A_418 = arith.constant 96 : index
        %swap3A_419 = tpu.vector_load %arg11[%swap3A_417, %swap3A_418] {strides = array<i32>} : memref<4x128xf32, #tpu.memory_space<vmem>>, vector<16xf32>,
        tpu.vector_store %arg11[%swap3A_417, %swap3A_418], %gather3A_416 {strides = array<i32>} : memref<4x128xf32, #tpu.memory_space<vmem>>, vector<16xf32>,
        %gather3A_420 = tpu.vector_load_idx %arg9[%broadcast_in_dim3A_391, %get3A_17] : memref<4x128xf32, #tpu.memory_space<vmem>>[vector<16xi32>, vector<16xi32>], vector<16xf32>,
        %swap3A_421 = arith.index_cast %scan3A_390 : i32 to index
        %swap3A_422 = arith.constant 112 : index
        %swap3A_423 = tpu.vector_load %arg11[%swap3A_421, %swap3A_422] {strides = array<i32>} : memref<4x128xf32, #tpu.memory_space<vmem>>, vector<16xf32>,
        tpu.vector_store %arg11[%swap3A_421, %swap3A_422], %gather3A_420 {strides = array<i32>} : memref<4x128xf32, #tpu.memory_space<vmem>>, vector<16xf32>,
      }
      %scan3A_213 = arith.constant 4 : i32
      %add3A_214 = arith.addi %mul3A_2, %add3A_109 : i32
      %dma_start3A_215 = arith.constant 96 : i32
      %dma_start3A_216 = arith.constant 0 : i32
      %dma_start3A_217 = tpu.memref_slice %arg4[%add3A_214, %dma_start3A_215, %dma_start3A_216] : memref<4096x100x128xf32, #tpu.memory_space<hbm>> -> memref<1x4x128xf32, #tpu.memory_space<hbm>>
      %dma_start3A_218 = tpu.memref_squeeze %dma_start3A_217 : memref<1x4x128xf32, #tpu.memory_space<hbm>> -> memref<4x128xf32, #tpu.memory_space<hbm>>
      %dma_start3A_219 = arith.constant 96 : i32
      %dma_start3A_220 = arith.constant 0 : i32
      %dma_start3A_221 = tpu.memref_slice %arg4[%add3A_214, %dma_start3A_219, %dma_start3A_220] : memref<4096x100x128xf32, #tpu.memory_space<hbm>> -> memref<1x4x128xf32, #tpu.memory_space<hbm>>
      %dma_start3A_222 = tpu.memref_squeeze %dma_start3A_221 : memref<1x4x128xf32, #tpu.memory_space<hbm>> -> memref<4x128xf32, #tpu.memory_space<hbm>>
      tpu.enqueue_dma source(%arg11 : memref<4x128xf32, #tpu.memory_space<vmem>>) target(%dma_start3A_222 : memref<4x128xf32, #tpu.memory_space<hbm>>) target_semaphore(%arg19 : memref<!tpu.dma_semaphore, #tpu.memory_space<semaphore_mem>>)
      %add3A_223 = arith.constant 2 : i32
      %add3A_224 = arith.addi %add3A_109, %add3A_223 : i32
      %lt3A_225 = arith.constant 128 : i32
      %lt3A_226 = arith.cmpi slt, %add3A_224, %lt3A_225 : i32
      %convert_element_type3A_227 = arith.extui %lt3A_226 : i1 to i32
      %cond3A_228 = arith.constant 0 : i32
      %cond3A_229 = arith.cmpi ne, %convert_element_type3A_227, %cond3A_228 : i32
      scf.if %cond3A_229 {
        %add3A_358 = arith.constant 2 : i32
        %add3A_359 = arith.addi %add3A_109, %add3A_358 : i32
        %add3A_360 = arith.addi %mul3A_2, %add3A_359 : i32
        %dma_start3A_361 = arith.constant 96 : i32
        %dma_start3A_362 = arith.constant 0 : i32
        %dma_start3A_363 = tpu.memref_slice %arg2[%add3A_360, %dma_start3A_361, %dma_start3A_362] : memref<4096x100x128xf32, #tpu.memory_space<hbm>> -> memref<1x4x128xf32, #tpu.memory_space<hbm>>
        %dma_start3A_364 = tpu.memref_squeeze %dma_start3A_363 : memref<1x4x128xf32, #tpu.memory_space<hbm>> -> memref<4x128xf32, #tpu.memory_space<hbm>>
        %dma_start3A_365 = arith.constant 96 : i32
        %dma_start3A_366 = arith.constant 0 : i32
        %dma_start3A_367 = tpu.memref_slice %arg2[%add3A_360, %dma_start3A_365, %dma_start3A_366] : memref<4096x100x128xf32, #tpu.memory_space<hbm>> -> memref<1x4x128xf32, #tpu.memory_space<hbm>>
        %dma_start3A_368 = tpu.memref_squeeze %dma_start3A_367 : memref<1x4x128xf32, #tpu.memory_space<hbm>> -> memref<4x128xf32, #tpu.memory_space<hbm>>
        tpu.enqueue_dma source(%dma_start3A_368 : memref<4x128xf32, #tpu.memory_space<hbm>>) target(%arg9 : memref<4x128xf32, #tpu.memory_space<vmem>>) target_semaphore(%arg17 : memref<!tpu.dma_semaphore, #tpu.memory_space<semaphore_mem>>)
      } else {
      }
      %mul3A_230 = arith.constant 2 : i32
      %mul3A_231 = arith.muli %mul3A_230, %scan3A_105 : i32
      %add3A_232 = arith.constant 1 : i32
      %add3A_233 = arith.addi %mul3A_231, %add3A_232 : i32
      %mul3A_234 = arith.constant 2 : i32
      %mul3A_235 = arith.muli %mul3A_234, %add3A_233 : i32
      %add3A_236 = arith.constant 0 : i32
      %add3A_237 = arith.addi %mul3A_235, %add3A_236 : i32
      %dma_wait3A_238 = arith.constant 0 : i32
      %dma_wait3A_239 = arith.constant 0 : i32
      %dma_wait3A_240 = arith.constant 0 : i32
      %dma_wait3A_241 = tpu.memref_slice %arg2[%dma_wait3A_238, %dma_wait3A_239, %dma_wait3A_240] : memref<4096x100x128xf32, #tpu.memory_space<hbm>> -> memref<1x48x128xf32, #tpu.memory_space<hbm>>
      %dma_wait3A_242 = tpu.memref_squeeze %dma_wait3A_241 : memref<1x48x128xf32, #tpu.memory_space<hbm>> -> memref<48x128xf32, #tpu.memory_space<hbm>>
      %dma_wait3A_243 = arith.constant 0 : i32
      %dma_wait3A_244 = arith.constant 0 : i32
      %dma_wait3A_245 = tpu.memref_slice %arg2[%dma_wait3A_238, %dma_wait3A_243, %dma_wait3A_244] : memref<4096x100x128xf32, #tpu.memory_space<hbm>> -> memref<1x48x128xf32, #tpu.memory_space<hbm>>
      %dma_wait3A_246 = tpu.memref_squeeze %dma_wait3A_245 : memref<1x48x128xf32, #tpu.memory_space<hbm>> -> memref<48x128xf32, #tpu.memory_space<hbm>>
      tpu.wait_dma2 semaphore(%arg13 : memref<!tpu.dma_semaphore, #tpu.memory_space<semaphore_mem>>) src(%dma_wait3A_246 : memref<48x128xf32, #tpu.memory_space<hbm>>) dst(%arg5 : memref<48x128xf32, #tpu.memory_space<vmem>>)
      %gt3A_247 = arith.constant 1 : i32
      %gt3A_248 = arith.cmpi sgt, %add3A_237, %gt3A_247 : i32
      %convert_element_type3A_249 = arith.extui %gt3A_248 : i1 to i32
      %cond3A_250 = arith.constant 0 : i32
      %cond3A_251 = arith.cmpi ne, %convert_element_type3A_249, %cond3A_250 : i32
      scf.if %cond3A_251 {
        %dma_wait3A_358 = arith.constant 0 : i32
        %dma_wait3A_359 = arith.constant 0 : i32
        %dma_wait3A_360 = arith.constant 0 : i32
        %dma_wait3A_361 = tpu.memref_slice %arg4[%dma_wait3A_358, %dma_wait3A_359, %dma_wait3A_360] : memref<4096x100x128xf32, #tpu.memory_space<hbm>> -> memref<1x48x128xf32, #tpu.memory_space<hbm>>
        %dma_wait3A_362 = tpu.memref_squeeze %dma_wait3A_361 : memref<1x48x128xf32, #tpu.memory_space<hbm>> -> memref<48x128xf32, #tpu.memory_space<hbm>>
        %dma_wait3A_363 = arith.constant 0 : i32
        %dma_wait3A_364 = arith.constant 0 : i32
        %dma_wait3A_365 = tpu.memref_slice %arg4[%dma_wait3A_358, %dma_wait3A_363, %dma_wait3A_364] : memref<4096x100x128xf32, #tpu.memory_space<hbm>> -> memref<1x48x128xf32, #tpu.memory_space<hbm>>
        %dma_wait3A_366 = tpu.memref_squeeze %dma_wait3A_365 : memref<1x48x128xf32, #tpu.memory_space<hbm>> -> memref<48x128xf32, #tpu.memory_space<hbm>>
        tpu.wait_dma2 semaphore(%arg15 : memref<!tpu.dma_semaphore, #tpu.memory_space<semaphore_mem>>) src(%arg7 : memref<48x128xf32, #tpu.memory_space<vmem>>) dst(%dma_wait3A_366 : memref<48x128xf32, #tpu.memory_space<hbm>>)
      } else {
      }
      %scan3A_252 = arith.constant 0 : i32
      %scan3A_253 = arith.constant 0 : i32
      %scan3A_254 = arith.constant 48 : i32
      %scan3A_255 = arith.addi %scan3A_253, %scan3A_254 : i32
      %scan3A_256 = arith.constant 2 : i32
      scf.for %scan3A_358 = %scan3A_253 to %scan3A_255 step %scan3A_256  : i32 {
        %broadcast_in_dim3A = vector.broadcast %scan3A_358 : i32 to vector<16xi32>
        %gather3A = tpu.vector_load_idx %arg5[%broadcast_in_dim3A, %get3A_3] : memref<48x128xf32, #tpu.memory_space<vmem>>[vector<16xi32>, vector<16xi32>], vector<16xf32>,
        %swap3A = arith.index_cast %scan3A_358 : i32 to index
        %swap3A_359 = arith.constant 0 : index
        %swap3A_360 = tpu.vector_load %arg7[%swap3A, %swap3A_359] {strides = array<i32>} : memref<48x128xf32, #tpu.memory_space<vmem>>, vector<16xf32>,
        tpu.vector_store %arg7[%swap3A, %swap3A_359], %gather3A {strides = array<i32>} : memref<48x128xf32, #tpu.memory_space<vmem>>, vector<16xf32>,
        %gather3A_361 = tpu.vector_load_idx %arg5[%broadcast_in_dim3A, %get3A_5] : memref<48x128xf32, #tpu.memory_space<vmem>>[vector<16xi32>, vector<16xi32>], vector<16xf32>,
        %swap3A_362 = arith.index_cast %scan3A_358 : i32 to index
        %swap3A_363 = arith.constant 16 : index
        %swap3A_364 = tpu.vector_load %arg7[%swap3A_362, %swap3A_363] {strides = array<i32>} : memref<48x128xf32, #tpu.memory_space<vmem>>, vector<16xf32>,
        tpu.vector_store %arg7[%swap3A_362, %swap3A_363], %gather3A_361 {strides = array<i32>} : memref<48x128xf32, #tpu.memory_space<vmem>>, vector<16xf32>,
        %gather3A_365 = tpu.vector_load_idx %arg5[%broadcast_in_dim3A, %get3A_7] : memref<48x128xf32, #tpu.memory_space<vmem>>[vector<16xi32>, vector<16xi32>], vector<16xf32>,
        %swap3A_366 = arith.index_cast %scan3A_358 : i32 to index
        %swap3A_367 = arith.constant 32 : index
        %swap3A_368 = tpu.vector_load %arg7[%swap3A_366, %swap3A_367] {strides = array<i32>} : memref<48x128xf32, #tpu.memory_space<vmem>>, vector<16xf32>,
        tpu.vector_store %arg7[%swap3A_366, %swap3A_367], %gather3A_365 {strides = array<i32>} : memref<48x128xf32, #tpu.memory_space<vmem>>, vector<16xf32>,
        %gather3A_369 = tpu.vector_load_idx %arg5[%broadcast_in_dim3A, %get3A_9] : memref<48x128xf32, #tpu.memory_space<vmem>>[vector<16xi32>, vector<16xi32>], vector<16xf32>,
        %swap3A_370 = arith.index_cast %scan3A_358 : i32 to index
        %swap3A_371 = arith.constant 48 : index
        %swap3A_372 = tpu.vector_load %arg7[%swap3A_370, %swap3A_371] {strides = array<i32>} : memref<48x128xf32, #tpu.memory_space<vmem>>, vector<16xf32>,
        tpu.vector_store %arg7[%swap3A_370, %swap3A_371], %gather3A_369 {strides = array<i32>} : memref<48x128xf32, #tpu.memory_space<vmem>>, vector<16xf32>,
        %gather3A_373 = tpu.vector_load_idx %arg5[%broadcast_in_dim3A, %get3A_11] : memref<48x128xf32, #tpu.memory_space<vmem>>[vector<16xi32>, vector<16xi32>], vector<16xf32>,
        %swap3A_374 = arith.index_cast %scan3A_358 : i32 to index
        %swap3A_375 = arith.constant 64 : index
        %swap3A_376 = tpu.vector_load %arg7[%swap3A_374, %swap3A_375] {strides = array<i32>} : memref<48x128xf32, #tpu.memory_space<vmem>>, vector<16xf32>,
        tpu.vector_store %arg7[%swap3A_374, %swap3A_375], %gather3A_373 {strides = array<i32>} : memref<48x128xf32, #tpu.memory_space<vmem>>, vector<16xf32>,
        %gather3A_377 = tpu.vector_load_idx %arg5[%broadcast_in_dim3A, %get3A_13] : memref<48x128xf32, #tpu.memory_space<vmem>>[vector<16xi32>, vector<16xi32>], vector<16xf32>,
        %swap3A_378 = arith.index_cast %scan3A_358 : i32 to index
        %swap3A_379 = arith.constant 80 : index
        %swap3A_380 = tpu.vector_load %arg7[%swap3A_378, %swap3A_379] {strides = array<i32>} : memref<48x128xf32, #tpu.memory_space<vmem>>, vector<16xf32>,
        tpu.vector_store %arg7[%swap3A_378, %swap3A_379], %gather3A_377 {strides = array<i32>} : memref<48x128xf32, #tpu.memory_space<vmem>>, vector<16xf32>,
        %gather3A_381 = tpu.vector_load_idx %arg5[%broadcast_in_dim3A, %get3A_15] : memref<48x128xf32, #tpu.memory_space<vmem>>[vector<16xi32>, vector<16xi32>], vector<16xf32>,
        %swap3A_382 = arith.index_cast %scan3A_358 : i32 to index
        %swap3A_383 = arith.constant 96 : index
        %swap3A_384 = tpu.vector_load %arg7[%swap3A_382, %swap3A_383] {strides = array<i32>} : memref<48x128xf32, #tpu.memory_space<vmem>>, vector<16xf32>,
        tpu.vector_store %arg7[%swap3A_382, %swap3A_383], %gather3A_381 {strides = array<i32>} : memref<48x128xf32, #tpu.memory_space<vmem>>, vector<16xf32>,
        %gather3A_385 = tpu.vector_load_idx %arg5[%broadcast_in_dim3A, %get3A_17] : memref<48x128xf32, #tpu.memory_space<vmem>>[vector<16xi32>, vector<16xi32>], vector<16xf32>,
        %swap3A_386 = arith.index_cast %scan3A_358 : i32 to index
        %swap3A_387 = arith.constant 112 : index
        %swap3A_388 = tpu.vector_load %arg7[%swap3A_386, %swap3A_387] {strides = array<i32>} : memref<48x128xf32, #tpu.memory_space<vmem>>, vector<16xf32>,
        tpu.vector_store %arg7[%swap3A_386, %swap3A_387], %gather3A_385 {strides = array<i32>} : memref<48x128xf32, #tpu.memory_space<vmem>>, vector<16xf32>,
        %scan3A_389 = arith.constant 1 : i32
        %scan3A_390 = arith.addi %scan3A_358, %scan3A_389 : i32
        %broadcast_in_dim3A_391 = vector.broadcast %scan3A_390 : i32 to vector<16xi32>
        %gather3A_392 = tpu.vector_load_idx %arg5[%broadcast_in_dim3A_391, %get3A_3] : memref<48x128xf32, #tpu.memory_space<vmem>>[vector<16xi32>, vector<16xi32>], vector<16xf32>,
        %swap3A_393 = arith.index_cast %scan3A_390 : i32 to index
        %swap3A_394 = arith.constant 0 : index
        %swap3A_395 = tpu.vector_load %arg7[%swap3A_393, %swap3A_394] {strides = array<i32>} : memref<48x128xf32, #tpu.memory_space<vmem>>, vector<16xf32>,
        tpu.vector_store %arg7[%swap3A_393, %swap3A_394], %gather3A_392 {strides = array<i32>} : memref<48x128xf32, #tpu.memory_space<vmem>>, vector<16xf32>,
        %gather3A_396 = tpu.vector_load_idx %arg5[%broadcast_in_dim3A_391, %get3A_5] : memref<48x128xf32, #tpu.memory_space<vmem>>[vector<16xi32>, vector<16xi32>], vector<16xf32>,
        %swap3A_397 = arith.index_cast %scan3A_390 : i32 to index
        %swap3A_398 = arith.constant 16 : index
        %swap3A_399 = tpu.vector_load %arg7[%swap3A_397, %swap3A_398] {strides = array<i32>} : memref<48x128xf32, #tpu.memory_space<vmem>>, vector<16xf32>,
        tpu.vector_store %arg7[%swap3A_397, %swap3A_398], %gather3A_396 {strides = array<i32>} : memref<48x128xf32, #tpu.memory_space<vmem>>, vector<16xf32>,
        %gather3A_400 = tpu.vector_load_idx %arg5[%broadcast_in_dim3A_391, %get3A_7] : memref<48x128xf32, #tpu.memory_space<vmem>>[vector<16xi32>, vector<16xi32>], vector<16xf32>,
        %swap3A_401 = arith.index_cast %scan3A_390 : i32 to index
        %swap3A_402 = arith.constant 32 : index
        %swap3A_403 = tpu.vector_load %arg7[%swap3A_401, %swap3A_402] {strides = array<i32>} : memref<48x128xf32, #tpu.memory_space<vmem>>, vector<16xf32>,
        tpu.vector_store %arg7[%swap3A_401, %swap3A_402], %gather3A_400 {strides = array<i32>} : memref<48x128xf32, #tpu.memory_space<vmem>>, vector<16xf32>,
        %gather3A_404 = tpu.vector_load_idx %arg5[%broadcast_in_dim3A_391, %get3A_9] : memref<48x128xf32, #tpu.memory_space<vmem>>[vector<16xi32>, vector<16xi32>], vector<16xf32>,
        %swap3A_405 = arith.index_cast %scan3A_390 : i32 to index
        %swap3A_406 = arith.constant 48 : index
        %swap3A_407 = tpu.vector_load %arg7[%swap3A_405, %swap3A_406] {strides = array<i32>} : memref<48x128xf32, #tpu.memory_space<vmem>>, vector<16xf32>,
        tpu.vector_store %arg7[%swap3A_405, %swap3A_406], %gather3A_404 {strides = array<i32>} : memref<48x128xf32, #tpu.memory_space<vmem>>, vector<16xf32>,
        %gather3A_408 = tpu.vector_load_idx %arg5[%broadcast_in_dim3A_391, %get3A_11] : memref<48x128xf32, #tpu.memory_space<vmem>>[vector<16xi32>, vector<16xi32>], vector<16xf32>,
        %swap3A_409 = arith.index_cast %scan3A_390 : i32 to index
        %swap3A_410 = arith.constant 64 : index
        %swap3A_411 = tpu.vector_load %arg7[%swap3A_409, %swap3A_410] {strides = array<i32>} : memref<48x128xf32, #tpu.memory_space<vmem>>, vector<16xf32>,
        tpu.vector_store %arg7[%swap3A_409, %swap3A_410], %gather3A_408 {strides = array<i32>} : memref<48x128xf32, #tpu.memory_space<vmem>>, vector<16xf32>,
        %gather3A_412 = tpu.vector_load_idx %arg5[%broadcast_in_dim3A_391, %get3A_13] : memref<48x128xf32, #tpu.memory_space<vmem>>[vector<16xi32>, vector<16xi32>], vector<16xf32>,
        %swap3A_413 = arith.index_cast %scan3A_390 : i32 to index
        %swap3A_414 = arith.constant 80 : index
        %swap3A_415 = tpu.vector_load %arg7[%swap3A_413, %swap3A_414] {strides = array<i32>} : memref<48x128xf32, #tpu.memory_space<vmem>>, vector<16xf32>,
        tpu.vector_store %arg7[%swap3A_413, %swap3A_414], %gather3A_412 {strides = array<i32>} : memref<48x128xf32, #tpu.memory_space<vmem>>, vector<16xf32>,
        %gather3A_416 = tpu.vector_load_idx %arg5[%broadcast_in_dim3A_391, %get3A_15] : memref<48x128xf32, #tpu.memory_space<vmem>>[vector<16xi32>, vector<16xi32>], vector<16xf32>,
        %swap3A_417 = arith.index_cast %scan3A_390 : i32 to index
        %swap3A_418 = arith.constant 96 : index
        %swap3A_419 = tpu.vector_load %arg7[%swap3A_417, %swap3A_418] {strides = array<i32>} : memref<48x128xf32, #tpu.memory_space<vmem>>, vector<16xf32>,
        tpu.vector_store %arg7[%swap3A_417, %swap3A_418], %gather3A_416 {strides = array<i32>} : memref<48x128xf32, #tpu.memory_space<vmem>>, vector<16xf32>,
        %gather3A_420 = tpu.vector_load_idx %arg5[%broadcast_in_dim3A_391, %get3A_17] : memref<48x128xf32, #tpu.memory_space<vmem>>[vector<16xi32>, vector<16xi32>], vector<16xf32>,
        %swap3A_421 = arith.index_cast %scan3A_390 : i32 to index
        %swap3A_422 = arith.constant 112 : index
        %swap3A_423 = tpu.vector_load %arg7[%swap3A_421, %swap3A_422] {strides = array<i32>} : memref<48x128xf32, #tpu.memory_space<vmem>>, vector<16xf32>,
        tpu.vector_store %arg7[%swap3A_421, %swap3A_422], %gather3A_420 {strides = array<i32>} : memref<48x128xf32, #tpu.memory_space<vmem>>, vector<16xf32>,
      }
      %scan3A_257 = arith.constant 48 : i32
      %shift_right_logical3A_258 = arith.constant 1 : i32
      %shift_right_logical3A_259 = arith.shrui %add3A_237, %shift_right_logical3A_258 : i32
      %add3A_260 = arith.addi %mul3A_2, %shift_right_logical3A_259 : i32
      %rem3A_261 = arith.constant 2 : i32
      %rem3A_262 = arith.remsi %add3A_237, %rem3A_261 : i32
      %mul3A_263 = arith.constant 48 : i32
      %mul3A_264 = arith.muli %rem3A_262, %mul3A_263 : i32
      %dma_start3A_265 = arith.constant 0 : i32
      %dma_start3A_266 = tpu.memref_slice %arg4[%add3A_260, %mul3A_264, %dma_start3A_265] : memref<4096x100x128xf32, #tpu.memory_space<hbm>> -> memref<1x48x128xf32, #tpu.memory_space<hbm>>
      %dma_start3A_267 = tpu.memref_squeeze %dma_start3A_266 : memref<1x48x128xf32, #tpu.memory_space<hbm>> -> memref<48x128xf32, #tpu.memory_space<hbm>>
      %dma_start3A_268 = arith.constant 0 : i32
      %dma_start3A_269 = tpu.memref_slice %arg4[%add3A_260, %mul3A_264, %dma_start3A_268] : memref<4096x100x128xf32, #tpu.memory_space<hbm>> -> memref<1x48x128xf32, #tpu.memory_space<hbm>>
      %dma_start3A_270 = tpu.memref_squeeze %dma_start3A_269 : memref<1x48x128xf32, #tpu.memory_space<hbm>> -> memref<48x128xf32, #tpu.memory_space<hbm>>
      tpu.enqueue_dma source(%arg7 : memref<48x128xf32, #tpu.memory_space<vmem>>) target(%dma_start3A_270 : memref<48x128xf32, #tpu.memory_space<hbm>>) target_semaphore(%arg15 : memref<!tpu.dma_semaphore, #tpu.memory_space<semaphore_mem>>)
      %add3A_271 = arith.constant 2 : i32
      %add3A_272 = arith.addi %add3A_237, %add3A_271 : i32
      %lt3A_273 = arith.constant 256 : i32
      %lt3A_274 = arith.cmpi slt, %add3A_272, %lt3A_273 : i32
      %convert_element_type3A_275 = arith.extui %lt3A_274 : i1 to i32
      %cond3A_276 = arith.constant 0 : i32
      %cond3A_277 = arith.cmpi ne, %convert_element_type3A_275, %cond3A_276 : i32
      scf.if %cond3A_277 {
        %add3A_358 = arith.constant 2 : i32
        %add3A_359 = arith.addi %add3A_237, %add3A_358 : i32
        %shift_right_logical3A_360 = arith.constant 1 : i32
        %shift_right_logical3A_361 = arith.shrui %add3A_359, %shift_right_logical3A_360 : i32
        %add3A_362 = arith.addi %mul3A_2, %shift_right_logical3A_361 : i32
        %rem3A_363 = arith.constant 2 : i32
        %rem3A_364 = arith.remsi %add3A_359, %rem3A_363 : i32
        %mul3A_365 = arith.constant 48 : i32
        %mul3A_366 = arith.muli %rem3A_364, %mul3A_365 : i32
        %dma_start3A_367 = arith.constant 0 : i32
        %dma_start3A_368 = tpu.memref_slice %arg2[%add3A_362, %mul3A_366, %dma_start3A_367] : memref<4096x100x128xf32, #tpu.memory_space<hbm>> -> memref<1x48x128xf32, #tpu.memory_space<hbm>>
        %dma_start3A_369 = tpu.memref_squeeze %dma_start3A_368 : memref<1x48x128xf32, #tpu.memory_space<hbm>> -> memref<48x128xf32, #tpu.memory_space<hbm>>
        %dma_start3A_370 = arith.constant 0 : i32
        %dma_start3A_371 = tpu.memref_slice %arg2[%add3A_362, %mul3A_366, %dma_start3A_370] : memref<4096x100x128xf32, #tpu.memory_space<hbm>> -> memref<1x48x128xf32, #tpu.memory_space<hbm>>
        %dma_start3A_372 = tpu.memref_squeeze %dma_start3A_371 : memref<1x48x128xf32, #tpu.memory_space<hbm>> -> memref<48x128xf32, #tpu.memory_space<hbm>>
        tpu.enqueue_dma source(%dma_start3A_372 : memref<48x128xf32, #tpu.memory_space<hbm>>) target(%arg5 : memref<48x128xf32, #tpu.memory_space<vmem>>) target_semaphore(%arg13 : memref<!tpu.dma_semaphore, #tpu.memory_space<semaphore_mem>>)
      } else {
      }
      %mul3A_278 = arith.constant 2 : i32
      %mul3A_279 = arith.muli %mul3A_278, %add3A_233 : i32
      %add3A_280 = arith.constant 1 : i32
      %add3A_281 = arith.addi %mul3A_279, %add3A_280 : i32
      %dma_wait3A_282 = arith.constant 0 : i32
      %dma_wait3A_283 = arith.constant 0 : i32
      %dma_wait3A_284 = arith.constant 0 : i32
      %dma_wait3A_285 = tpu.memref_slice %arg2[%dma_wait3A_282, %dma_wait3A_283, %dma_wait3A_284] : memref<4096x100x128xf32, #tpu.memory_space<hbm>> -> memref<1x48x128xf32, #tpu.memory_space<hbm>>
      %dma_wait3A_286 = tpu.memref_squeeze %dma_wait3A_285 : memref<1x48x128xf32, #tpu.memory_space<hbm>> -> memref<48x128xf32, #tpu.memory_space<hbm>>
      %dma_wait3A_287 = arith.constant 0 : i32
      %dma_wait3A_288 = arith.constant 0 : i32
      %dma_wait3A_289 = tpu.memref_slice %arg2[%dma_wait3A_282, %dma_wait3A_287, %dma_wait3A_288] : memref<4096x100x128xf32, #tpu.memory_space<hbm>> -> memref<1x48x128xf32, #tpu.memory_space<hbm>>
      %dma_wait3A_290 = tpu.memref_squeeze %dma_wait3A_289 : memref<1x48x128xf32, #tpu.memory_space<hbm>> -> memref<48x128xf32, #tpu.memory_space<hbm>>
      tpu.wait_dma2 semaphore(%arg14 : memref<!tpu.dma_semaphore, #tpu.memory_space<semaphore_mem>>) src(%dma_wait3A_290 : memref<48x128xf32, #tpu.memory_space<hbm>>) dst(%arg6 : memref<48x128xf32, #tpu.memory_space<vmem>>)
      %gt3A_291 = arith.constant 1 : i32
      %gt3A_292 = arith.cmpi sgt, %add3A_281, %gt3A_291 : i32
      %convert_element_type3A_293 = arith.extui %gt3A_292 : i1 to i32
      %cond3A_294 = arith.constant 0 : i32
      %cond3A_295 = arith.cmpi ne, %convert_element_type3A_293, %cond3A_294 : i32
      scf.if %cond3A_295 {
        %dma_wait3A_358 = arith.constant 0 : i32
        %dma_wait3A_359 = arith.constant 0 : i32
        %dma_wait3A_360 = arith.constant 0 : i32
        %dma_wait3A_361 = tpu.memref_slice %arg4[%dma_wait3A_358, %dma_wait3A_359, %dma_wait3A_360] : memref<4096x100x128xf32, #tpu.memory_space<hbm>> -> memref<1x48x128xf32, #tpu.memory_space<hbm>>
        %dma_wait3A_362 = tpu.memref_squeeze %dma_wait3A_361 : memref<1x48x128xf32, #tpu.memory_space<hbm>> -> memref<48x128xf32, #tpu.memory_space<hbm>>
        %dma_wait3A_363 = arith.constant 0 : i32
        %dma_wait3A_364 = arith.constant 0 : i32
        %dma_wait3A_365 = tpu.memref_slice %arg4[%dma_wait3A_358, %dma_wait3A_363, %dma_wait3A_364] : memref<4096x100x128xf32, #tpu.memory_space<hbm>> -> memref<1x48x128xf32, #tpu.memory_space<hbm>>
        %dma_wait3A_366 = tpu.memref_squeeze %dma_wait3A_365 : memref<1x48x128xf32, #tpu.memory_space<hbm>> -> memref<48x128xf32, #tpu.memory_space<hbm>>
        tpu.wait_dma2 semaphore(%arg16 : memref<!tpu.dma_semaphore, #tpu.memory_space<semaphore_mem>>) src(%arg8 : memref<48x128xf32, #tpu.memory_space<vmem>>) dst(%dma_wait3A_366 : memref<48x128xf32, #tpu.memory_space<hbm>>)
      } else {
      }
      %scan3A_296 = arith.constant 0 : i32
      %scan3A_297 = arith.constant 0 : i32
      %scan3A_298 = arith.constant 48 : i32
      %scan3A_299 = arith.addi %scan3A_297, %scan3A_298 : i32
      %scan3A_300 = arith.constant 2 : i32
      scf.for %scan3A_358 = %scan3A_297 to %scan3A_299 step %scan3A_300  : i32 {
        %broadcast_in_dim3A = vector.broadcast %scan3A_358 : i32 to vector<16xi32>
        %gather3A = tpu.vector_load_idx %arg6[%broadcast_in_dim3A, %get3A_3] : memref<48x128xf32, #tpu.memory_space<vmem>>[vector<16xi32>, vector<16xi32>], vector<16xf32>,
        %swap3A = arith.index_cast %scan3A_358 : i32 to index
        %swap3A_359 = arith.constant 0 : index
        %swap3A_360 = tpu.vector_load %arg8[%swap3A, %swap3A_359] {strides = array<i32>} : memref<48x128xf32, #tpu.memory_space<vmem>>, vector<16xf32>,
        tpu.vector_store %arg8[%swap3A, %swap3A_359], %gather3A {strides = array<i32>} : memref<48x128xf32, #tpu.memory_space<vmem>>, vector<16xf32>,
        %gather3A_361 = tpu.vector_load_idx %arg6[%broadcast_in_dim3A, %get3A_5] : memref<48x128xf32, #tpu.memory_space<vmem>>[vector<16xi32>, vector<16xi32>], vector<16xf32>,
        %swap3A_362 = arith.index_cast %scan3A_358 : i32 to index
        %swap3A_363 = arith.constant 16 : index
        %swap3A_364 = tpu.vector_load %arg8[%swap3A_362, %swap3A_363] {strides = array<i32>} : memref<48x128xf32, #tpu.memory_space<vmem>>, vector<16xf32>,
        tpu.vector_store %arg8[%swap3A_362, %swap3A_363], %gather3A_361 {strides = array<i32>} : memref<48x128xf32, #tpu.memory_space<vmem>>, vector<16xf32>,
        %gather3A_365 = tpu.vector_load_idx %arg6[%broadcast_in_dim3A, %get3A_7] : memref<48x128xf32, #tpu.memory_space<vmem>>[vector<16xi32>, vector<16xi32>], vector<16xf32>,
        %swap3A_366 = arith.index_cast %scan3A_358 : i32 to index
        %swap3A_367 = arith.constant 32 : index
        %swap3A_368 = tpu.vector_load %arg8[%swap3A_366, %swap3A_367] {strides = array<i32>} : memref<48x128xf32, #tpu.memory_space<vmem>>, vector<16xf32>,
        tpu.vector_store %arg8[%swap3A_366, %swap3A_367], %gather3A_365 {strides = array<i32>} : memref<48x128xf32, #tpu.memory_space<vmem>>, vector<16xf32>,
        %gather3A_369 = tpu.vector_load_idx %arg6[%broadcast_in_dim3A, %get3A_9] : memref<48x128xf32, #tpu.memory_space<vmem>>[vector<16xi32>, vector<16xi32>], vector<16xf32>,
        %swap3A_370 = arith.index_cast %scan3A_358 : i32 to index
        %swap3A_371 = arith.constant 48 : index
        %swap3A_372 = tpu.vector_load %arg8[%swap3A_370, %swap3A_371] {strides = array<i32>} : memref<48x128xf32, #tpu.memory_space<vmem>>, vector<16xf32>,
        tpu.vector_store %arg8[%swap3A_370, %swap3A_371], %gather3A_369 {strides = array<i32>} : memref<48x128xf32, #tpu.memory_space<vmem>>, vector<16xf32>,
        %gather3A_373 = tpu.vector_load_idx %arg6[%broadcast_in_dim3A, %get3A_11] : memref<48x128xf32, #tpu.memory_space<vmem>>[vector<16xi32>, vector<16xi32>], vector<16xf32>,
        %swap3A_374 = arith.index_cast %scan3A_358 : i32 to index
        %swap3A_375 = arith.constant 64 : index
        %swap3A_376 = tpu.vector_load %arg8[%swap3A_374, %swap3A_375] {strides = array<i32>} : memref<48x128xf32, #tpu.memory_space<vmem>>, vector<16xf32>,
        tpu.vector_store %arg8[%swap3A_374, %swap3A_375], %gather3A_373 {strides = array<i32>} : memref<48x128xf32, #tpu.memory_space<vmem>>, vector<16xf32>,
        %gather3A_377 = tpu.vector_load_idx %arg6[%broadcast_in_dim3A, %get3A_13] : memref<48x128xf32, #tpu.memory_space<vmem>>[vector<16xi32>, vector<16xi32>], vector<16xf32>,
        %swap3A_378 = arith.index_cast %scan3A_358 : i32 to index
        %swap3A_379 = arith.constant 80 : index
        %swap3A_380 = tpu.vector_load %arg8[%swap3A_378, %swap3A_379] {strides = array<i32>} : memref<48x128xf32, #tpu.memory_space<vmem>>, vector<16xf32>,
        tpu.vector_store %arg8[%swap3A_378, %swap3A_379], %gather3A_377 {strides = array<i32>} : memref<48x128xf32, #tpu.memory_space<vmem>>, vector<16xf32>,
        %gather3A_381 = tpu.vector_load_idx %arg6[%broadcast_in_dim3A, %get3A_15] : memref<48x128xf32, #tpu.memory_space<vmem>>[vector<16xi32>, vector<16xi32>], vector<16xf32>,
        %swap3A_382 = arith.index_cast %scan3A_358 : i32 to index
        %swap3A_383 = arith.constant 96 : index
        %swap3A_384 = tpu.vector_load %arg8[%swap3A_382, %swap3A_383] {strides = array<i32>} : memref<48x128xf32, #tpu.memory_space<vmem>>, vector<16xf32>,
        tpu.vector_store %arg8[%swap3A_382, %swap3A_383], %gather3A_381 {strides = array<i32>} : memref<48x128xf32, #tpu.memory_space<vmem>>, vector<16xf32>,
        %gather3A_385 = tpu.vector_load_idx %arg6[%broadcast_in_dim3A, %get3A_17] : memref<48x128xf32, #tpu.memory_space<vmem>>[vector<16xi32>, vector<16xi32>], vector<16xf32>,
        %swap3A_386 = arith.index_cast %scan3A_358 : i32 to index
        %swap3A_387 = arith.constant 112 : index
        %swap3A_388 = tpu.vector_load %arg8[%swap3A_386, %swap3A_387] {strides = array<i32>} : memref<48x128xf32, #tpu.memory_space<vmem>>, vector<16xf32>,
        tpu.vector_store %arg8[%swap3A_386, %swap3A_387], %gather3A_385 {strides = array<i32>} : memref<48x128xf32, #tpu.memory_space<vmem>>, vector<16xf32>,
        %scan3A_389 = arith.constant 1 : i32
        %scan3A_390 = arith.addi %scan3A_358, %scan3A_389 : i32
        %broadcast_in_dim3A_391 = vector.broadcast %scan3A_390 : i32 to vector<16xi32>
        %gather3A_392 = tpu.vector_load_idx %arg6[%broadcast_in_dim3A_391, %get3A_3] : memref<48x128xf32, #tpu.memory_space<vmem>>[vector<16xi32>, vector<16xi32>], vector<16xf32>,
        %swap3A_393 = arith.index_cast %scan3A_390 : i32 to index
        %swap3A_394 = arith.constant 0 : index
        %swap3A_395 = tpu.vector_load %arg8[%swap3A_393, %swap3A_394] {strides = array<i32>} : memref<48x128xf32, #tpu.memory_space<vmem>>, vector<16xf32>,
        tpu.vector_store %arg8[%swap3A_393, %swap3A_394], %gather3A_392 {strides = array<i32>} : memref<48x128xf32, #tpu.memory_space<vmem>>, vector<16xf32>,
        %gather3A_396 = tpu.vector_load_idx %arg6[%broadcast_in_dim3A_391, %get3A_5] : memref<48x128xf32, #tpu.memory_space<vmem>>[vector<16xi32>, vector<16xi32>], vector<16xf32>,
        %swap3A_397 = arith.index_cast %scan3A_390 : i32 to index
        %swap3A_398 = arith.constant 16 : index
        %swap3A_399 = tpu.vector_load %arg8[%swap3A_397, %swap3A_398] {strides = array<i32>} : memref<48x128xf32, #tpu.memory_space<vmem>>, vector<16xf32>,
        tpu.vector_store %arg8[%swap3A_397, %swap3A_398], %gather3A_396 {strides = array<i32>} : memref<48x128xf32, #tpu.memory_space<vmem>>, vector<16xf32>,
        %gather3A_400 = tpu.vector_load_idx %arg6[%broadcast_in_dim3A_391, %get3A_7] : memref<48x128xf32, #tpu.memory_space<vmem>>[vector<16xi32>, vector<16xi32>], vector<16xf32>,
        %swap3A_401 = arith.index_cast %scan3A_390 : i32 to index
        %swap3A_402 = arith.constant 32 : index
        %swap3A_403 = tpu.vector_load %arg8[%swap3A_401, %swap3A_402] {strides = array<i32>} : memref<48x128xf32, #tpu.memory_space<vmem>>, vector<16xf32>,
        tpu.vector_store %arg8[%swap3A_401, %swap3A_402], %gather3A_400 {strides = array<i32>} : memref<48x128xf32, #tpu.memory_space<vmem>>, vector<16xf32>,
        %gather3A_404 = tpu.vector_load_idx %arg6[%broadcast_in_dim3A_391, %get3A_9] : memref<48x128xf32, #tpu.memory_space<vmem>>[vector<16xi32>, vector<16xi32>], vector<16xf32>,
        %swap3A_405 = arith.index_cast %scan3A_390 : i32 to index
        %swap3A_406 = arith.constant 48 : index
        %swap3A_407 = tpu.vector_load %arg8[%swap3A_405, %swap3A_406] {strides = array<i32>} : memref<48x128xf32, #tpu.memory_space<vmem>>, vector<16xf32>,
        tpu.vector_store %arg8[%swap3A_405, %swap3A_406], %gather3A_404 {strides = array<i32>} : memref<48x128xf32, #tpu.memory_space<vmem>>, vector<16xf32>,
        %gather3A_408 = tpu.vector_load_idx %arg6[%broadcast_in_dim3A_391, %get3A_11] : memref<48x128xf32, #tpu.memory_space<vmem>>[vector<16xi32>, vector<16xi32>], vector<16xf32>,
        %swap3A_409 = arith.index_cast %scan3A_390 : i32 to index
        %swap3A_410 = arith.constant 64 : index
        %swap3A_411 = tpu.vector_load %arg8[%swap3A_409, %swap3A_410] {strides = array<i32>} : memref<48x128xf32, #tpu.memory_space<vmem>>, vector<16xf32>,
        tpu.vector_store %arg8[%swap3A_409, %swap3A_410], %gather3A_408 {strides = array<i32>} : memref<48x128xf32, #tpu.memory_space<vmem>>, vector<16xf32>,
        %gather3A_412 = tpu.vector_load_idx %arg6[%broadcast_in_dim3A_391, %get3A_13] : memref<48x128xf32, #tpu.memory_space<vmem>>[vector<16xi32>, vector<16xi32>], vector<16xf32>,
        %swap3A_413 = arith.index_cast %scan3A_390 : i32 to index
        %swap3A_414 = arith.constant 80 : index
        %swap3A_415 = tpu.vector_load %arg8[%swap3A_413, %swap3A_414] {strides = array<i32>} : memref<48x128xf32, #tpu.memory_space<vmem>>, vector<16xf32>,
        tpu.vector_store %arg8[%swap3A_413, %swap3A_414], %gather3A_412 {strides = array<i32>} : memref<48x128xf32, #tpu.memory_space<vmem>>, vector<16xf32>,
        %gather3A_416 = tpu.vector_load_idx %arg6[%broadcast_in_dim3A_391, %get3A_15] : memref<48x128xf32, #tpu.memory_space<vmem>>[vector<16xi32>, vector<16xi32>], vector<16xf32>,
        %swap3A_417 = arith.index_cast %scan3A_390 : i32 to index
        %swap3A_418 = arith.constant 96 : index
        %swap3A_419 = tpu.vector_load %arg8[%swap3A_417, %swap3A_418] {strides = array<i32>} : memref<48x128xf32, #tpu.memory_space<vmem>>, vector<16xf32>,
        tpu.vector_store %arg8[%swap3A_417, %swap3A_418], %gather3A_416 {strides = array<i32>} : memref<48x128xf32, #tpu.memory_space<vmem>>, vector<16xf32>,
        %gather3A_420 = tpu.vector_load_idx %arg6[%broadcast_in_dim3A_391, %get3A_17] : memref<48x128xf32, #tpu.memory_space<vmem>>[vector<16xi32>, vector<16xi32>], vector<16xf32>,
        %swap3A_421 = arith.index_cast %scan3A_390 : i32 to index
        %swap3A_422 = arith.constant 112 : index
        %swap3A_423 = tpu.vector_load %arg8[%swap3A_421, %swap3A_422] {strides = array<i32>} : memref<48x128xf32, #tpu.memory_space<vmem>>, vector<16xf32>,
        tpu.vector_store %arg8[%swap3A_421, %swap3A_422], %gather3A_420 {strides = array<i32>} : memref<48x128xf32, #tpu.memory_space<vmem>>, vector<16xf32>,
      }
      %scan3A_301 = arith.constant 48 : i32
      %shift_right_logical3A_302 = arith.constant 1 : i32
      %shift_right_logical3A_303 = arith.shrui %add3A_281, %shift_right_logical3A_302 : i32
      %add3A_304 = arith.addi %mul3A_2, %shift_right_logical3A_303 : i32
      %rem3A_305 = arith.constant 2 : i32
      %rem3A_306 = arith.remsi %add3A_281, %rem3A_305 : i32
      %mul3A_307 = arith.constant 48 : i32
      %mul3A_308 = arith.muli %rem3A_306, %mul3A_307 : i32
      %dma_start3A_309 = arith.constant 0 : i32
      %dma_start3A_310 = tpu.memref_slice %arg4[%add3A_304, %mul3A_308, %dma_start3A_309] : memref<4096x100x128xf32, #tpu.memory_space<hbm>> -> memref<1x48x128xf32, #tpu.memory_space<hbm>>
      %dma_start3A_311 = tpu.memref_squeeze %dma_start3A_310 : memref<1x48x128xf32, #tpu.memory_space<hbm>> -> memref<48x128xf32, #tpu.memory_space<hbm>>
      %dma_start3A_312 = arith.constant 0 : i32
      %dma_start3A_313 = tpu.memref_slice %arg4[%add3A_304, %mul3A_308, %dma_start3A_312] : memref<4096x100x128xf32, #tpu.memory_space<hbm>> -> memref<1x48x128xf32, #tpu.memory_space<hbm>>
      %dma_start3A_314 = tpu.memref_squeeze %dma_start3A_313 : memref<1x48x128xf32, #tpu.memory_space<hbm>> -> memref<48x128xf32, #tpu.memory_space<hbm>>
      tpu.enqueue_dma source(%arg8 : memref<48x128xf32, #tpu.memory_space<vmem>>) target(%dma_start3A_314 : memref<48x128xf32, #tpu.memory_space<hbm>>) target_semaphore(%arg16 : memref<!tpu.dma_semaphore, #tpu.memory_space<semaphore_mem>>)
      %add3A_315 = arith.constant 2 : i32
      %add3A_316 = arith.addi %add3A_281, %add3A_315 : i32
      %lt3A_317 = arith.constant 256 : i32
      %lt3A_318 = arith.cmpi slt, %add3A_316, %lt3A_317 : i32
      %convert_element_type3A_319 = arith.extui %lt3A_318 : i1 to i32
      %cond3A_320 = arith.constant 0 : i32
      %cond3A_321 = arith.cmpi ne, %convert_element_type3A_319, %cond3A_320 : i32
      scf.if %cond3A_321 {
        %add3A_358 = arith.constant 2 : i32
        %add3A_359 = arith.addi %add3A_281, %add3A_358 : i32
        %shift_right_logical3A_360 = arith.constant 1 : i32
        %shift_right_logical3A_361 = arith.shrui %add3A_359, %shift_right_logical3A_360 : i32
        %add3A_362 = arith.addi %mul3A_2, %shift_right_logical3A_361 : i32
        %rem3A_363 = arith.constant 2 : i32
        %rem3A_364 = arith.remsi %add3A_359, %rem3A_363 : i32
        %mul3A_365 = arith.constant 48 : i32
        %mul3A_366 = arith.muli %rem3A_364, %mul3A_365 : i32
        %dma_start3A_367 = arith.constant 0 : i32
        %dma_start3A_368 = tpu.memref_slice %arg2[%add3A_362, %mul3A_366, %dma_start3A_367] : memref<4096x100x128xf32, #tpu.memory_space<hbm>> -> memref<1x48x128xf32, #tpu.memory_space<hbm>>
        %dma_start3A_369 = tpu.memref_squeeze %dma_start3A_368 : memref<1x48x128xf32, #tpu.memory_space<hbm>> -> memref<48x128xf32, #tpu.memory_space<hbm>>
        %dma_start3A_370 = arith.constant 0 : i32
        %dma_start3A_371 = tpu.memref_slice %arg2[%add3A_362, %mul3A_366, %dma_start3A_370] : memref<4096x100x128xf32, #tpu.memory_space<hbm>> -> memref<1x48x128xf32, #tpu.memory_space<hbm>>
        %dma_start3A_372 = tpu.memref_squeeze %dma_start3A_371 : memref<1x48x128xf32, #tpu.memory_space<hbm>> -> memref<48x128xf32, #tpu.memory_space<hbm>>
        tpu.enqueue_dma source(%dma_start3A_372 : memref<48x128xf32, #tpu.memory_space<hbm>>) target(%arg6 : memref<48x128xf32, #tpu.memory_space<vmem>>) target_semaphore(%arg14 : memref<!tpu.dma_semaphore, #tpu.memory_space<semaphore_mem>>)
      } else {
      }
      %dma_wait3A_322 = arith.constant 0 : i32
      %dma_wait3A_323 = arith.constant 0 : i32
      %dma_wait3A_324 = arith.constant 0 : i32
      %dma_wait3A_325 = tpu.memref_slice %arg2[%dma_wait3A_322, %dma_wait3A_323, %dma_wait3A_324] : memref<4096x100x128xf32, #tpu.memory_space<hbm>> -> memref<1x4x128xf32, #tpu.memory_space<hbm>>
      %dma_wait3A_326 = tpu.memref_squeeze %dma_wait3A_325 : memref<1x4x128xf32, #tpu.memory_space<hbm>> -> memref<4x128xf32, #tpu.memory_space<hbm>>
      %dma_wait3A_327 = arith.constant 0 : i32
      %dma_wait3A_328 = arith.constant 0 : i32
      %dma_wait3A_329 = tpu.memref_slice %arg2[%dma_wait3A_322, %dma_wait3A_327, %dma_wait3A_328] : memref<4096x100x128xf32, #tpu.memory_space<hbm>> -> memref<1x4x128xf32, #tpu.memory_space<hbm>>
      %dma_wait3A_330 = tpu.memref_squeeze %dma_wait3A_329 : memref<1x4x128xf32, #tpu.memory_space<hbm>> -> memref<4x128xf32, #tpu.memory_space<hbm>>
      tpu.wait_dma2 semaphore(%arg18 : memref<!tpu.dma_semaphore, #tpu.memory_space<semaphore_mem>>) src(%dma_wait3A_330 : memref<4x128xf32, #tpu.memory_space<hbm>>) dst(%arg10 : memref<4x128xf32, #tpu.memory_space<vmem>>)
      %gt3A_331 = arith.constant 1 : i32
      %gt3A_332 = arith.cmpi sgt, %add3A_233, %gt3A_331 : i32
      %convert_element_type3A_333 = arith.extui %gt3A_332 : i1 to i32
      %cond3A_334 = arith.constant 0 : i32
      %cond3A_335 = arith.cmpi ne, %convert_element_type3A_333, %cond3A_334 : i32
      scf.if %cond3A_335 {
        %dma_wait3A_358 = arith.constant 0 : i32
        %dma_wait3A_359 = arith.constant 0 : i32
        %dma_wait3A_360 = arith.constant 0 : i32
        %dma_wait3A_361 = tpu.memref_slice %arg4[%dma_wait3A_358, %dma_wait3A_359, %dma_wait3A_360] : memref<4096x100x128xf32, #tpu.memory_space<hbm>> -> memref<1x4x128xf32, #tpu.memory_space<hbm>>
        %dma_wait3A_362 = tpu.memref_squeeze %dma_wait3A_361 : memref<1x4x128xf32, #tpu.memory_space<hbm>> -> memref<4x128xf32, #tpu.memory_space<hbm>>
        %dma_wait3A_363 = arith.constant 0 : i32
        %dma_wait3A_364 = arith.constant 0 : i32
        %dma_wait3A_365 = tpu.memref_slice %arg4[%dma_wait3A_358, %dma_wait3A_363, %dma_wait3A_364] : memref<4096x100x128xf32, #tpu.memory_space<hbm>> -> memref<1x4x128xf32, #tpu.memory_space<hbm>>
        %dma_wait3A_366 = tpu.memref_squeeze %dma_wait3A_365 : memref<1x4x128xf32, #tpu.memory_space<hbm>> -> memref<4x128xf32, #tpu.memory_space<hbm>>
        tpu.wait_dma2 semaphore(%arg20 : memref<!tpu.dma_semaphore, #tpu.memory_space<semaphore_mem>>) src(%arg12 : memref<4x128xf32, #tpu.memory_space<vmem>>) dst(%dma_wait3A_366 : memref<4x128xf32, #tpu.memory_space<hbm>>)
      } else {
      }
      %scan3A_336 = arith.constant 0 : i32
      %scan3A_337 = arith.constant 0 : i32
      %scan3A_338 = arith.constant 4 : i32
      %scan3A_339 = arith.addi %scan3A_337, %scan3A_338 : i32
      %scan3A_340 = arith.constant 2 : i32
      scf.for %scan3A_358 = %scan3A_337 to %scan3A_339 step %scan3A_340  : i32 {
        %broadcast_in_dim3A = vector.broadcast %scan3A_358 : i32 to vector<16xi32>
        %gather3A = tpu.vector_load_idx %arg10[%broadcast_in_dim3A, %get3A_3] : memref<4x128xf32, #tpu.memory_space<vmem>>[vector<16xi32>, vector<16xi32>], vector<16xf32>,
        %swap3A = arith.index_cast %scan3A_358 : i32 to index
        %swap3A_359 = arith.constant 0 : index
        %swap3A_360 = tpu.vector_load %arg12[%swap3A, %swap3A_359] {strides = array<i32>} : memref<4x128xf32, #tpu.memory_space<vmem>>, vector<16xf32>,
        tpu.vector_store %arg12[%swap3A, %swap3A_359], %gather3A {strides = array<i32>} : memref<4x128xf32, #tpu.memory_space<vmem>>, vector<16xf32>,
        %gather3A_361 = tpu.vector_load_idx %arg10[%broadcast_in_dim3A, %get3A_5] : memref<4x128xf32, #tpu.memory_space<vmem>>[vector<16xi32>, vector<16xi32>], vector<16xf32>,
        %swap3A_362 = arith.index_cast %scan3A_358 : i32 to index
        %swap3A_363 = arith.constant 16 : index
        %swap3A_364 = tpu.vector_load %arg12[%swap3A_362, %swap3A_363] {strides = array<i32>} : memref<4x128xf32, #tpu.memory_space<vmem>>, vector<16xf32>,
        tpu.vector_store %arg12[%swap3A_362, %swap3A_363], %gather3A_361 {strides = array<i32>} : memref<4x128xf32, #tpu.memory_space<vmem>>, vector<16xf32>,
        %gather3A_365 = tpu.vector_load_idx %arg10[%broadcast_in_dim3A, %get3A_7] : memref<4x128xf32, #tpu.memory_space<vmem>>[vector<16xi32>, vector<16xi32>], vector<16xf32>,
        %swap3A_366 = arith.index_cast %scan3A_358 : i32 to index
        %swap3A_367 = arith.constant 32 : index
        %swap3A_368 = tpu.vector_load %arg12[%swap3A_366, %swap3A_367] {strides = array<i32>} : memref<4x128xf32, #tpu.memory_space<vmem>>, vector<16xf32>,
        tpu.vector_store %arg12[%swap3A_366, %swap3A_367], %gather3A_365 {strides = array<i32>} : memref<4x128xf32, #tpu.memory_space<vmem>>, vector<16xf32>,
        %gather3A_369 = tpu.vector_load_idx %arg10[%broadcast_in_dim3A, %get3A_9] : memref<4x128xf32, #tpu.memory_space<vmem>>[vector<16xi32>, vector<16xi32>], vector<16xf32>,
        %swap3A_370 = arith.index_cast %scan3A_358 : i32 to index
        %swap3A_371 = arith.constant 48 : index
        %swap3A_372 = tpu.vector_load %arg12[%swap3A_370, %swap3A_371] {strides = array<i32>} : memref<4x128xf32, #tpu.memory_space<vmem>>, vector<16xf32>,
        tpu.vector_store %arg12[%swap3A_370, %swap3A_371], %gather3A_369 {strides = array<i32>} : memref<4x128xf32, #tpu.memory_space<vmem>>, vector<16xf32>,
        %gather3A_373 = tpu.vector_load_idx %arg10[%broadcast_in_dim3A, %get3A_11] : memref<4x128xf32, #tpu.memory_space<vmem>>[vector<16xi32>, vector<16xi32>], vector<16xf32>,
        %swap3A_374 = arith.index_cast %scan3A_358 : i32 to index
        %swap3A_375 = arith.constant 64 : index
        %swap3A_376 = tpu.vector_load %arg12[%swap3A_374, %swap3A_375] {strides = array<i32>} : memref<4x128xf32, #tpu.memory_space<vmem>>, vector<16xf32>,
        tpu.vector_store %arg12[%swap3A_374, %swap3A_375], %gather3A_373 {strides = array<i32>} : memref<4x128xf32, #tpu.memory_space<vmem>>, vector<16xf32>,
        %gather3A_377 = tpu.vector_load_idx %arg10[%broadcast_in_dim3A, %get3A_13] : memref<4x128xf32, #tpu.memory_space<vmem>>[vector<16xi32>, vector<16xi32>], vector<16xf32>,
        %swap3A_378 = arith.index_cast %scan3A_358 : i32 to index
        %swap3A_379 = arith.constant 80 : index
        %swap3A_380 = tpu.vector_load %arg12[%swap3A_378, %swap3A_379] {strides = array<i32>} : memref<4x128xf32, #tpu.memory_space<vmem>>, vector<16xf32>,
        tpu.vector_store %arg12[%swap3A_378, %swap3A_379], %gather3A_377 {strides = array<i32>} : memref<4x128xf32, #tpu.memory_space<vmem>>, vector<16xf32>,
        %gather3A_381 = tpu.vector_load_idx %arg10[%broadcast_in_dim3A, %get3A_15] : memref<4x128xf32, #tpu.memory_space<vmem>>[vector<16xi32>, vector<16xi32>], vector<16xf32>,
        %swap3A_382 = arith.index_cast %scan3A_358 : i32 to index
        %swap3A_383 = arith.constant 96 : index
        %swap3A_384 = tpu.vector_load %arg12[%swap3A_382, %swap3A_383] {strides = array<i32>} : memref<4x128xf32, #tpu.memory_space<vmem>>, vector<16xf32>,
        tpu.vector_store %arg12[%swap3A_382, %swap3A_383], %gather3A_381 {strides = array<i32>} : memref<4x128xf32, #tpu.memory_space<vmem>>, vector<16xf32>,
        %gather3A_385 = tpu.vector_load_idx %arg10[%broadcast_in_dim3A, %get3A_17] : memref<4x128xf32, #tpu.memory_space<vmem>>[vector<16xi32>, vector<16xi32>], vector<16xf32>,
        %swap3A_386 = arith.index_cast %scan3A_358 : i32 to index
        %swap3A_387 = arith.constant 112 : index
        %swap3A_388 = tpu.vector_load %arg12[%swap3A_386, %swap3A_387] {strides = array<i32>} : memref<4x128xf32, #tpu.memory_space<vmem>>, vector<16xf32>,
        tpu.vector_store %arg12[%swap3A_386, %swap3A_387], %gather3A_385 {strides = array<i32>} : memref<4x128xf32, #tpu.memory_space<vmem>>, vector<16xf32>,
        %scan3A_389 = arith.constant 1 : i32
        %scan3A_390 = arith.addi %scan3A_358, %scan3A_389 : i32
        %broadcast_in_dim3A_391 = vector.broadcast %scan3A_390 : i32 to vector<16xi32>
        %gather3A_392 = tpu.vector_load_idx %arg10[%broadcast_in_dim3A_391, %get3A_3] : memref<4x128xf32, #tpu.memory_space<vmem>>[vector<16xi32>, vector<16xi32>], vector<16xf32>,
        %swap3A_393 = arith.index_cast %scan3A_390 : i32 to index
        %swap3A_394 = arith.constant 0 : index
        %swap3A_395 = tpu.vector_load %arg12[%swap3A_393, %swap3A_394] {strides = array<i32>} : memref<4x128xf32, #tpu.memory_space<vmem>>, vector<16xf32>,
        tpu.vector_store %arg12[%swap3A_393, %swap3A_394], %gather3A_392 {strides = array<i32>} : memref<4x128xf32, #tpu.memory_space<vmem>>, vector<16xf32>,
        %gather3A_396 = tpu.vector_load_idx %arg10[%broadcast_in_dim3A_391, %get3A_5] : memref<4x128xf32, #tpu.memory_space<vmem>>[vector<16xi32>, vector<16xi32>], vector<16xf32>,
        %swap3A_397 = arith.index_cast %scan3A_390 : i32 to index
        %swap3A_398 = arith.constant 16 : index
        %swap3A_399 = tpu.vector_load %arg12[%swap3A_397, %swap3A_398] {strides = array<i32>} : memref<4x128xf32, #tpu.memory_space<vmem>>, vector<16xf32>,
        tpu.vector_store %arg12[%swap3A_397, %swap3A_398], %gather3A_396 {strides = array<i32>} : memref<4x128xf32, #tpu.memory_space<vmem>>, vector<16xf32>,
        %gather3A_400 = tpu.vector_load_idx %arg10[%broadcast_in_dim3A_391, %get3A_7] : memref<4x128xf32, #tpu.memory_space<vmem>>[vector<16xi32>, vector<16xi32>], vector<16xf32>,
        %swap3A_401 = arith.index_cast %scan3A_390 : i32 to index
        %swap3A_402 = arith.constant 32 : index
        %swap3A_403 = tpu.vector_load %arg12[%swap3A_401, %swap3A_402] {strides = array<i32>} : memref<4x128xf32, #tpu.memory_space<vmem>>, vector<16xf32>,
        tpu.vector_store %arg12[%swap3A_401, %swap3A_402], %gather3A_400 {strides = array<i32>} : memref<4x128xf32, #tpu.memory_space<vmem>>, vector<16xf32>,
        %gather3A_404 = tpu.vector_load_idx %arg10[%broadcast_in_dim3A_391, %get3A_9] : memref<4x128xf32, #tpu.memory_space<vmem>>[vector<16xi32>, vector<16xi32>], vector<16xf32>,
        %swap3A_405 = arith.index_cast %scan3A_390 : i32 to index
        %swap3A_406 = arith.constant 48 : index
        %swap3A_407 = tpu.vector_load %arg12[%swap3A_405, %swap3A_406] {strides = array<i32>} : memref<4x128xf32, #tpu.memory_space<vmem>>, vector<16xf32>,
        tpu.vector_store %arg12[%swap3A_405, %swap3A_406], %gather3A_404 {strides = array<i32>} : memref<4x128xf32, #tpu.memory_space<vmem>>, vector<16xf32>,
        %gather3A_408 = tpu.vector_load_idx %arg10[%broadcast_in_dim3A_391, %get3A_11] : memref<4x128xf32, #tpu.memory_space<vmem>>[vector<16xi32>, vector<16xi32>], vector<16xf32>,
        %swap3A_409 = arith.index_cast %scan3A_390 : i32 to index
        %swap3A_410 = arith.constant 64 : index
        %swap3A_411 = tpu.vector_load %arg12[%swap3A_409, %swap3A_410] {strides = array<i32>} : memref<4x128xf32, #tpu.memory_space<vmem>>, vector<16xf32>,
        tpu.vector_store %arg12[%swap3A_409, %swap3A_410], %gather3A_408 {strides = array<i32>} : memref<4x128xf32, #tpu.memory_space<vmem>>, vector<16xf32>,
        %gather3A_412 = tpu.vector_load_idx %arg10[%broadcast_in_dim3A_391, %get3A_13] : memref<4x128xf32, #tpu.memory_space<vmem>>[vector<16xi32>, vector<16xi32>], vector<16xf32>,
        %swap3A_413 = arith.index_cast %scan3A_390 : i32 to index
        %swap3A_414 = arith.constant 80 : index
        %swap3A_415 = tpu.vector_load %arg12[%swap3A_413, %swap3A_414] {strides = array<i32>} : memref<4x128xf32, #tpu.memory_space<vmem>>, vector<16xf32>,
        tpu.vector_store %arg12[%swap3A_413, %swap3A_414], %gather3A_412 {strides = array<i32>} : memref<4x128xf32, #tpu.memory_space<vmem>>, vector<16xf32>,
        %gather3A_416 = tpu.vector_load_idx %arg10[%broadcast_in_dim3A_391, %get3A_15] : memref<4x128xf32, #tpu.memory_space<vmem>>[vector<16xi32>, vector<16xi32>], vector<16xf32>,
        %swap3A_417 = arith.index_cast %scan3A_390 : i32 to index
        %swap3A_418 = arith.constant 96 : index
        %swap3A_419 = tpu.vector_load %arg12[%swap3A_417, %swap3A_418] {strides = array<i32>} : memref<4x128xf32, #tpu.memory_space<vmem>>, vector<16xf32>,
        tpu.vector_store %arg12[%swap3A_417, %swap3A_418], %gather3A_416 {strides = array<i32>} : memref<4x128xf32, #tpu.memory_space<vmem>>, vector<16xf32>,
        %gather3A_420 = tpu.vector_load_idx %arg10[%broadcast_in_dim3A_391, %get3A_17] : memref<4x128xf32, #tpu.memory_space<vmem>>[vector<16xi32>, vector<16xi32>], vector<16xf32>,
        %swap3A_421 = arith.index_cast %scan3A_390 : i32 to index
        %swap3A_422 = arith.constant 112 : index
        %swap3A_423 = tpu.vector_load %arg12[%swap3A_421, %swap3A_422] {strides = array<i32>} : memref<4x128xf32, #tpu.memory_space<vmem>>, vector<16xf32>,
        tpu.vector_store %arg12[%swap3A_421, %swap3A_422], %gather3A_420 {strides = array<i32>} : memref<4x128xf32, #tpu.memory_space<vmem>>, vector<16xf32>,
      }
      %scan3A_341 = arith.constant 4 : i32
      %add3A_342 = arith.addi %mul3A_2, %add3A_233 : i32
      %dma_start3A_343 = arith.constant 96 : i32
      %dma_start3A_344 = arith.constant 0 : i32
      %dma_start3A_345 = tpu.memref_slice %arg4[%add3A_342, %dma_start3A_343, %dma_start3A_344] : memref<4096x100x128xf32, #tpu.memory_space<hbm>> -> memref<1x4x128xf32, #tpu.memory_space<hbm>>
      %dma_start3A_346 = tpu.memref_squeeze %dma_start3A_345 : memref<1x4x128xf32, #tpu.memory_space<hbm>> -> memref<4x128xf32, #tpu.memory_space<hbm>>
      %dma_start3A_347 = arith.constant 96 : i32
      %dma_start3A_348 = arith.constant 0 : i32
      %dma_start3A_349 = tpu.memref_slice %arg4[%add3A_342, %dma_start3A_347, %dma_start3A_348] : memref<4096x100x128xf32, #tpu.memory_space<hbm>> -> memref<1x4x128xf32, #tpu.memory_space<hbm>>
      %dma_start3A_350 = tpu.memref_squeeze %dma_start3A_349 : memref<1x4x128xf32, #tpu.memory_space<hbm>> -> memref<4x128xf32, #tpu.memory_space<hbm>>
      tpu.enqueue_dma source(%arg12 : memref<4x128xf32, #tpu.memory_space<vmem>>) target(%dma_start3A_350 : memref<4x128xf32, #tpu.memory_space<hbm>>) target_semaphore(%arg20 : memref<!tpu.dma_semaphore, #tpu.memory_space<semaphore_mem>>)
      %add3A_351 = arith.constant 2 : i32
      %add3A_352 = arith.addi %add3A_233, %add3A_351 : i32
      %lt3A_353 = arith.constant 128 : i32
      %lt3A_354 = arith.cmpi slt, %add3A_352, %lt3A_353 : i32
      %convert_element_type3A_355 = arith.extui %lt3A_354 : i1 to i32
      %cond3A_356 = arith.constant 0 : i32
      %cond3A_357 = arith.cmpi ne, %convert_element_type3A_355, %cond3A_356 : i32
      scf.if %cond3A_357 {
        %add3A_358 = arith.constant 2 : i32
        %add3A_359 = arith.addi %add3A_233, %add3A_358 : i32
        %add3A_360 = arith.addi %mul3A_2, %add3A_359 : i32
        %dma_start3A_361 = arith.constant 96 : i32
        %dma_start3A_362 = arith.constant 0 : i32
        %dma_start3A_363 = tpu.memref_slice %arg2[%add3A_360, %dma_start3A_361, %dma_start3A_362] : memref<4096x100x128xf32, #tpu.memory_space<hbm>> -> memref<1x4x128xf32, #tpu.memory_space<hbm>>
        %dma_start3A_364 = tpu.memref_squeeze %dma_start3A_363 : memref<1x4x128xf32, #tpu.memory_space<hbm>> -> memref<4x128xf32, #tpu.memory_space<hbm>>
        %dma_start3A_365 = arith.constant 96 : i32
        %dma_start3A_366 = arith.constant 0 : i32
        %dma_start3A_367 = tpu.memref_slice %arg2[%add3A_360, %dma_start3A_365, %dma_start3A_366] : memref<4096x100x128xf32, #tpu.memory_space<hbm>> -> memref<1x4x128xf32, #tpu.memory_space<hbm>>
        %dma_start3A_368 = tpu.memref_squeeze %dma_start3A_367 : memref<1x4x128xf32, #tpu.memory_space<hbm>> -> memref<4x128xf32, #tpu.memory_space<hbm>>
        tpu.enqueue_dma source(%dma_start3A_368 : memref<4x128xf32, #tpu.memory_space<hbm>>) target(%arg10 : memref<4x128xf32, #tpu.memory_space<vmem>>) target_semaphore(%arg18 : memref<!tpu.dma_semaphore, #tpu.memory_space<semaphore_mem>>)
      } else {
      }
    }
    %scan3A_69 = arith.constant 64 : i32
    %dma_wait3A = arith.constant 0 : i32
    %dma_wait3A_70 = arith.constant 0 : i32
    %dma_wait3A_71 = arith.constant 0 : i32
    %dma_wait3A_72 = tpu.memref_slice %arg4[%dma_wait3A, %dma_wait3A_70, %dma_wait3A_71] : memref<4096x100x128xf32, #tpu.memory_space<hbm>> -> memref<1x48x128xf32, #tpu.memory_space<hbm>>
    %dma_wait3A_73 = tpu.memref_squeeze %dma_wait3A_72 : memref<1x48x128xf32, #tpu.memory_space<hbm>> -> memref<48x128xf32, #tpu.memory_space<hbm>>
    %dma_wait3A_74 = arith.constant 0 : i32
    %dma_wait3A_75 = arith.constant 0 : i32
    %dma_wait3A_76 = tpu.memref_slice %arg4[%dma_wait3A, %dma_wait3A_74, %dma_wait3A_75] : memref<4096x100x128xf32, #tpu.memory_space<hbm>> -> memref<1x48x128xf32, #tpu.memory_space<hbm>>
    %dma_wait3A_77 = tpu.memref_squeeze %dma_wait3A_76 : memref<1x48x128xf32, #tpu.memory_space<hbm>> -> memref<48x128xf32, #tpu.memory_space<hbm>>
    tpu.wait_dma2 semaphore(%arg15 : memref<!tpu.dma_semaphore, #tpu.memory_space<semaphore_mem>>) src(%arg7 : memref<48x128xf32, #tpu.memory_space<vmem>>) dst(%dma_wait3A_77 : memref<48x128xf32, #tpu.memory_space<hbm>>)
    %dma_wait3A_78 = arith.constant 0 : i32
    %dma_wait3A_79 = arith.constant 0 : i32
    %dma_wait3A_80 = arith.constant 0 : i32
    %dma_wait3A_81 = tpu.memref_slice %arg4[%dma_wait3A_78, %dma_wait3A_79, %dma_wait3A_80] : memref<4096x100x128xf32, #tpu.memory_space<hbm>> -> memref<1x48x128xf32, #tpu.memory_space<hbm>>
    %dma_wait3A_82 = tpu.memref_squeeze %dma_wait3A_81 : memref<1x48x128xf32, #tpu.memory_space<hbm>> -> memref<48x128xf32, #tpu.memory_space<hbm>>
    %dma_wait3A_83 = arith.constant 0 : i32
    %dma_wait3A_84 = arith.constant 0 : i32
    %dma_wait3A_85 = tpu.memref_slice %arg4[%dma_wait3A_78, %dma_wait3A_83, %dma_wait3A_84] : memref<4096x100x128xf32, #tpu.memory_space<hbm>> -> memref<1x48x128xf32, #tpu.memory_space<hbm>>
    %dma_wait3A_86 = tpu.memref_squeeze %dma_wait3A_85 : memref<1x48x128xf32, #tpu.memory_space<hbm>> -> memref<48x128xf32, #tpu.memory_space<hbm>>
    tpu.wait_dma2 semaphore(%arg16 : memref<!tpu.dma_semaphore, #tpu.memory_space<semaphore_mem>>) src(%arg8 : memref<48x128xf32, #tpu.memory_space<vmem>>) dst(%dma_wait3A_86 : memref<48x128xf32, #tpu.memory_space<hbm>>)
    %dma_wait3A_87 = arith.constant 0 : i32
    %dma_wait3A_88 = arith.constant 0 : i32
    %dma_wait3A_89 = arith.constant 0 : i32
    %dma_wait3A_90 = tpu.memref_slice %arg4[%dma_wait3A_87, %dma_wait3A_88, %dma_wait3A_89] : memref<4096x100x128xf32, #tpu.memory_space<hbm>> -> memref<1x4x128xf32, #tpu.memory_space<hbm>>
    %dma_wait3A_91 = tpu.memref_squeeze %dma_wait3A_90 : memref<1x4x128xf32, #tpu.memory_space<hbm>> -> memref<4x128xf32, #tpu.memory_space<hbm>>
    %dma_wait3A_92 = arith.constant 0 : i32
    %dma_wait3A_93 = arith.constant 0 : i32
    %dma_wait3A_94 = tpu.memref_slice %arg4[%dma_wait3A_87, %dma_wait3A_92, %dma_wait3A_93] : memref<4096x100x128xf32, #tpu.memory_space<hbm>> -> memref<1x4x128xf32, #tpu.memory_space<hbm>>
    %dma_wait3A_95 = tpu.memref_squeeze %dma_wait3A_94 : memref<1x4x128xf32, #tpu.memory_space<hbm>> -> memref<4x128xf32, #tpu.memory_space<hbm>>
    tpu.wait_dma2 semaphore(%arg19 : memref<!tpu.dma_semaphore, #tpu.memory_space<semaphore_mem>>) src(%arg11 : memref<4x128xf32, #tpu.memory_space<vmem>>) dst(%dma_wait3A_95 : memref<4x128xf32, #tpu.memory_space<hbm>>)
    %dma_wait3A_96 = arith.constant 0 : i32
    %dma_wait3A_97 = arith.constant 0 : i32
    %dma_wait3A_98 = arith.constant 0 : i32
    %dma_wait3A_99 = tpu.memref_slice %arg4[%dma_wait3A_96, %dma_wait3A_97, %dma_wait3A_98] : memref<4096x100x128xf32, #tpu.memory_space<hbm>> -> memref<1x4x128xf32, #tpu.memory_space<hbm>>
    %dma_wait3A_100 = tpu.memref_squeeze %dma_wait3A_99 : memref<1x4x128xf32, #tpu.memory_space<hbm>> -> memref<4x128xf32, #tpu.memory_space<hbm>>
    %dma_wait3A_101 = arith.constant 0 : i32
    %dma_wait3A_102 = arith.constant 0 : i32
    %dma_wait3A_103 = tpu.memref_slice %arg4[%dma_wait3A_96, %dma_wait3A_101, %dma_wait3A_102] : memref<4096x100x128xf32, #tpu.memory_space<hbm>> -> memref<1x4x128xf32, #tpu.memory_space<hbm>>
    %dma_wait3A_104 = tpu.memref_squeeze %dma_wait3A_103 : memref<1x4x128xf32, #tpu.memory_space<hbm>> -> memref<4x128xf32, #tpu.memory_space<hbm>>
    tpu.wait_dma2 semaphore(%arg20 : memref<!tpu.dma_semaphore, #tpu.memory_space<semaphore_mem>>) src(%arg12 : memref<4x128xf32, #tpu.memory_space<vmem>>) dst(%dma_wait3A_104 : memref<4x128xf32, #tpu.memory_space<hbm>>)
    return
  }
}

</mosaic_0001>

<sc_bundles>
// kernel: kernel.3.cloned.1.call-start
scs
__scs_entry_jumppad:
0x0: {  	(pc) =	sbr.rel $0x88, $3  }
0x1: {  	(tag) =	ssettag $0x0;
	lr =	simm.s32 $0x1  }
0x2: {  	[smem:$0x3F9F] =	sst lr;
	_ =	strace $0xD0000000  }
0x3: {  	_ = 	snop  }
0x4: {  	_ = 	snop  }
0x5: {  	_ = 	snop  }
0x6: {  	_ = 	snop  }
0x7: {  	_ = 	snop  }
__scs_overlays_trampoline_lowered:
0x8: {  	[smem:$0x3FAE] =	sst s0  }
0x9: {  	[smem:$0x3FAF] =	sst s1  }
0xa: {  	[smem:$0x3FB0] =	sst s2  }
0xb: {  	[smem:$0x3FB1] =	sst s3  }
0xc: {  	[smem:$0x3FB2] =	sst s4  }
0xd: {  	[smem:$0x3FB3] =	sst s5  }
0xe: {  	[smem:$0x3FB4] =	sst s6  }
0xf: {  	[smem:$0x3FB5] =	sst s7  }
0x10: {  	[smem:$0x3FB6] =	sst s8  }
0x11: {  	[smem:$0x3FB7] =	sst s9;
	s0 =	simm.s32 @!p0 $0x0  }
0x12: {  	s1 =	sld [smem:$0x3F9D];
	s0 =	simm.s32 @p0 $0x1  }
0x13: {  	[smem:$0x3FB8] =	sst s0;
	s0 =	simm.s32 @!p1 $0x0  }
0x14: {  	s2 =	sld [smem:$0x3F9C];
	s0 =	simm.s32 @p1 $0x1  }
0x15: {  	[smem:$0x3FB9] =	sst s0;
	s0 =	simm.s32 @!p2 $0x0  }
0x16: {  	s3 =	sld [smem:$0x3FDB];
	s0 =	simm.s32 @p2 $0x1  }
0x17: {  	s4 =	simm.s32 $0x1BF5;
	[smem:$0x3FBB] =	sst s0  }
0x18: {  	s0 =	sld [smem:$0x3F9E];
	_ =	swait.ge [sflag:s4], $0x0  }
0x19: {  	s7 =	sld [smem:$0x3F9F]  }
0x1a: {  	s8 =	sadd.s32 $0xFFFFE003, lr  }
0x1b: {  	s9 =	sadd.s32 $0xFFFFFEF7, lr;
	s5 =	simm.s32 $0xFFFFFFFF;
	p2 =	slt.u32 s8, $0xFFFFF086  }
0x1c: {  	p1 =	slt.u32 s9, $0xF7A;
	s5 =	simm.s32 @!p2 $0x0  }
0x1d: {  	s5 =	simm.s32 @p1 $0x1;
	p0 =	seq.s32 s7, s2  }
0x1e: {  	s7 =	smul.u32 @!p0 $0xF7A, s2;
	p2 =	seq.s32 @!p0 s5, $0x0  }
0x1f: {  	s9 =	smul.u32 $0xF7A, s1;
	s8 =	simm.s32 @!p0 $0x1BF5;
	p2 =	por !p2, p0  }
0x20: {  	[sflag:s8] =	ssyncset.s32 @!p0 $0xFFFFF086;
	s6 =	sadd.s32 @!p0 s3, s7;
	s7 =	simm.s32 @!p0 $0x108  }
0x21: {  	s3 =	sadd.s32 s3, s9;
	s6 =	sadd.s32 @!p0 $0x88, s6;
	s7 =	simm.s32 @p2 $0x1082  }
0x22: {  	[simem:s7], [sflag:s8] =	dma.local @!p0 [hbm:s6], $0xF7A  }
0x23: {  	s9 =	sor.u32 $0xD0000000, s2;
	s6 =	simm.s32 $0x108;
	_ =	swait.ge @!p0 [sflag:s8], $0x0  }
0x24: {  	s3 =	sadd.s32 $0x88, s3;
	s6 =	simm.s32 @!p1 $0x1082;
	[sflag:s4] =	ssyncset.s32 $0xFFFFF086  }
0x25: {  	[simem:s6], [sflag:s4] =	dma.local [hbm:s3], $0xF7A  }
0x26: {  	[smem:$0x3F9F] =	sst s1;
	(tag) =	ssettag s2;
	_ =	strace s9  }
0x27: {  	s1 =	sld [smem:$0x3FAF]  }
0x28: {  	s2 =	sld [smem:$0x3FB0]  }
0x29: {  	s4 =	sld [smem:$0x3FB2]  }
0x2a: {  	p0 =	seq.s32 s5, $0x0;
	s5 =	sld [smem:$0x3FB3]  }
0x2b: {  	s6 =	sld [smem:$0x3FB4]  }
0x2c: {  	s7 =	sld [smem:$0x3FB5]  }
0x2d: {  	s3 =	simm.s32 $0x108;
	s8 =	sld [smem:$0x3FB6]  }
0x2e: {  	s3 =	simm.s32 @!p0 $0x1082;
	s9 =	sld [smem:$0x3FB7]  }
0x2f: {  	lr =	sadd.s32 s0, s3;
	s0 =	sld [smem:$0x3FAE]  }
0x30: {  	s3 =	sld [smem:$0x3FB1]  }
0x31: {  	[smem:$0x3FBA] =	sst s10  }
0x32: {  	s10 =	sld [smem:$0x3FB8];
	_ =	sdelay $0x3  }
0x33: {  	p0 =	seq.s32 s10, $0x1;
	s10 =	sld [smem:$0x3FBA];
	_ =	sdelay $0x3  }
0x34: {  	[smem:$0x3FBA] =	sst s10  }
0x35: {  	s10 =	sld [smem:$0x3FB9];
	_ =	sdelay $0x3  }
0x36: {  	p1 =	seq.s32 s10, $0x1;
	s10 =	sld [smem:$0x3FBA];
	_ =	sdelay $0x3  }
0x37: {  	[smem:$0x3FBA] =	sst s10  }
0x38: {  	s10 =	sld [smem:$0x3FBB]  }
0x39: {  	_ = 	snop;
	(pc) =	sbr.ind lr, $3  }
0x3a: {  	_ = 	snop  }
0x3b: {  	_ = 	snop  }
0x3c: {  	p2 =	seq.s32 s10, $0x1;
	s10 =	sld [smem:$0x3FBA]  }
0x3d: {  	_ =	shalt  }
0x3e: {  	_ =	shalt  }
0x3f: {  	_ =	shalt  }
0x40: {  	_ =	shalt  }
0x41: {  	_ =	shalt  }
0x42: {  	_ =	shalt  }
0x43: {  	_ =	shalt  }
0x44: {  	_ =	shalt  }
0x45: {  	_ =	shalt  }
0x46: {  	_ =	shalt  }
0x47: {  	_ =	shalt  }
0x48: {  	_ =	shalt  }
0x49: {  	_ =	shalt  }
0x4a: {  	_ =	shalt  }
0x4b: {  	_ =	shalt  }
0x4c: {  	_ =	shalt  }
0x4d: {  	_ =	shalt  }
0x4e: {  	_ =	shalt  }
0x4f: {  	_ =	shalt  }
0x50: {  	_ =	shalt  }
0x51: {  	_ =	shalt  }
0x52: {  	_ =	shalt  }
0x53: {  	_ =	shalt  }
0x54: {  	_ =	shalt  }
0x55: {  	_ =	shalt  }
0x56: {  	_ =	shalt  }
0x57: {  	_ =	shalt  }
0x58: {  	_ =	shalt  }
0x59: {  	_ =	shalt  }
0x5a: {  	_ =	shalt  }
0x5b: {  	_ =	shalt  }
0x5c: {  	_ =	shalt  }
0x5d: {  	_ =	shalt  }
0x5e: {  	_ =	shalt  }
0x5f: {  	_ =	shalt  }
0x60: {  	_ =	shalt  }
0x61: {  	_ =	shalt  }
0x62: {  	_ =	shalt  }
0x63: {  	_ =	shalt  }
0x64: {  	_ =	shalt  }
0x65: {  	_ =	shalt  }
0x66: {  	_ =	shalt  }
0x67: {  	_ =	shalt  }
0x68: {  	_ =	shalt  }
0x69: {  	_ =	shalt  }
0x6a: {  	_ =	shalt  }
0x6b: {  	_ =	shalt  }
0x6c: {  	_ =	shalt  }
0x6d: {  	_ =	shalt  }
0x6e: {  	_ =	shalt  }
0x6f: {  	_ =	shalt  }
0x70: {  	_ =	shalt  }
0x71: {  	_ =	shalt  }
0x72: {  	_ =	shalt  }
0x73: {  	_ =	shalt  }
0x74: {  	_ =	shalt  }
0x75: {  	_ =	shalt  }
0x76: {  	_ =	shalt  }
0x77: {  	_ =	shalt  }
0x78: {  	_ =	shalt  }
0x79: {  	_ =	shalt  }
0x7a: {  	_ =	shalt  }
0x7b: {  	_ =	shalt  }
0x7c: {  	_ =	shalt  }
0x7d: {  	_ =	shalt  }
0x7e: {  	_ =	shalt  }
0x7f: {  	_ =	shalt  }
0x80: {  	_ =	shalt  }
0x81: {  	_ =	shalt  }
0x82: {  	_ =	shalt  }
0x83: {  	_ =	shalt  }
0x84: {  	_ =	shalt  }
0x85: {  	_ =	shalt  }
0x86: {  	_ =	shalt  }
0x87: {  	_ =	shalt  }
.Lfunc_end0:
.L_simem_size_0:
called_computation_lowered:
.L_overlay_start_0:
0x88: {  	s2 =	sld [smem:$0x3FD9]  }
0x89: {  	s3 =	sld [smem:$0x3FFE];
	_ =	sdelay $0x1  }
0x8a: {  	s1 =	srdreg.scid  }
0x8b: {  	s0 =	sand.u32 $0x1, s1  }
0x8c: {  	s17 =	sshll.u32 s0, $0xA;
	s2 =	sadd.s32 s3, s2  }
0x8d: {  	s2 =	sadd.s32 s2, s17  }
0x8e: {  	[smem:$0x3FC6] =	sst s2  }
0x8f: {  	_ = 	snop  }
0x90: {  	s2 =	sld [smem:$0x3FC8];
	(tm) =	ssettm $0x1  }
0x91: {  	s18 =	sld [smem:$0x3FFB];
	_ =	sdelay $0x3  }
0x92: {  	_ =	strace s18  }
0x93: {  	s3 =	sld [smem:$0x3FFC];
	_ =	sdelay $0x3  }
0x94: {  	_ =	strace s3  }
0x95: {  	s3 =	sld [smem:$0x3FFD];
	_ =	sdelay $0x3  }
0x96: {  	_ =	strace s3  }
0x97: {  	_ =	strace $0x8FFFFFFF  }
0x98: {  	s19 =	sld [smem:$0x3FDB];
	_ =	sdelay $0x1  }
0x99: {  	s4 =	simm.s32 $_scs_section_size  }
0x9a: {  	s5 =	simm.s32 $_size__tile_overlayer_lowered;
	s6 =	simm.s32 $_tile_overlayer_lowered  }
0x9b: {  	s22 =	simm.s32 $0x1BFF;
	s21 =	sshll.u32 s6, $0x1;
	s3 =	sadd.s32 s4, s19  }
0x9c: {  	s7 =	simm.s32 $0x0;
	s20 =	sshll.u32 s5, $0x1;
	s5 =	sadd.s32 s21, s3  }
0x9d: {  	[timem:s7], [sflag:s22] =	dma.local [hbm:s5], s20  }
0x9e: {  	_ =	swait.ge [sflag:s22], s20  }
0x9f: {  	s4 =	ssub.s32 $0x0, s20;
	[sflag:s22] =	ssyncset.done $0x0  }
0xa0: {  	[sflag:s22] =	ssyncadd.s32 s4;
	_ =	sdelay $0x1  }
0xa1: {  	s23 =	simm.s32 $0x1B8B  }
0xa2: {  	_ =	swait.ge [sflag:s23], $0x1  }
0xa3: {  	[sflag:s23] =	ssyncset.done $0x0  }
0xa4: {  	s25 =	simm.s32 $0x1B8E;
	s24 =	sld [smem:$0x3FFE];
	[sflag:s23] =	ssyncadd.s32 $0xFFFFFFFF  }
0xa5: {  	s26 =	simm.s32 $execute0_lowered;
	[smem:$0x3FD2] =	sst s25  }
0xa6: {  	s5 =	sshll.u32 s26, $0x1;
	_ =	strace $0x80000046;
	[dreg:$0x1] =	wrdreg $0xFFFFFFFF  }
0xa7: {  	s28 =	simm.s32 $_size_execute0_lowered;
	s3 =	sadd.s32 s3, s5;
	[dreg:$0x0] =	wrdreg $0x0  }
0xa8: {  	s5 =	sshll.u32 s28, $0x1;
	[dreg:$0x2] =	wrdreg s3  }
0xa9: {  	[dreg:$0x3] =	wrdreg s5  }
0xaa: {  	[dreg:$0x4] =	wrdreg $0xC0  }
0xab: {  	_ =	task [dreg:s7], $0x5FFFF  }
0xac: {  	[dreg:$0x1] =	wrdreg $0xFFFFFFFF  }
0xad: {  	[dreg:$0x0] =	wrdreg $0x60  }
0xae: {  	[dreg:$0x2] =	wrdreg s24  }
0xaf: {  	[dreg:$0x3] =	wrdreg s2  }
0xb0: {  	[dreg:$0x4] =	wrdreg $0x9  }
0xb1: {  	_ =	task.clear_ibuf [dreg:s7], $0x5FFFF;
	_ =	strace $0x90000046  }
0xb2: {  	s29 =	simm.s32 $0x9;
	_ =	strace $0x80000048  }
0xb3: {  	_ =	swait.ge [sflag:s29], $0x1  }
0xb4: {  	[sflag:s29] =	ssyncadd.s32 $0xFFFFFFFF  }
0xb5: {  	_ =	strace $0x90000048  }
0xb6: {  	_ =	sfence  }
0xb7: {  	s30 =	sld [smem:$0x0];
	_ =	sdelay $0x2  }
0xb8: {  	s31 =	sshll.u32 s1, $0xD;
	s1 =	sshrl.u32 s1, $0x2  }
0xb9: {  	s3 =	sand.u32 $0x4000, s31;
	s1 =	sadd.s32 s1, s30  }
0xba: {  	s0 =	sor.u32 s3, s0;
	s1 =	sshll.u32 s1, $0x11  }
0xbb: {  	s0 =	sor.u32 s1, s0  }
0xbc: {  	s0 =	sadd.s32 $0x8F2B, s0  }
0xbd: {  	[sflag:s0] =	ssyncadd.remote.s32 $0x1  }
0xbe: {  	_ =	sfence.sel $0xFFFF  }
0xbf: {  	[dreg:$0x0] =	wrdreg $0xFFFFFFFF;
	(pc) =	sbr.abs _section_cstart, $3  }
0xc0: {  	[dreg:$0x1] =	wrdreg $0xFFFFFFFF  }
0xc1: {  	_ =	task.clear_ibuf [dreg:s7], $0x2FFFF;
	_ =	strace $0x9FFFFFFF  }
0xc2: {  	(tm) =	ssettm $0x7FFFFFFF  }
0xc3: {  	_ =	shalt  }
tec
execute0_lowered:
.L_overlay_start_1:
0x0: {  	(tag) =	ssettag $0x1  }
0x1: {  	s0 =	rddreg [dreg:$0x0]  }
0x2: {  	s1 =	srdreg.scid;
	s2 =	stileid.u32  }
0x3: {  	s3 =	simm.s32 $0x0;
	s16 =	simm.s32 $0x1800;
	s17 =	simm.s32 $0x6000  }
0x4: {  	s18 =	simm.s32 $0x6200;
	s19 =	simm.s32 $0x1;
	s20 =	simm.s32 $0x3000  }
0x5: {  	s21 =	simm.s32 $0x2;
	s22 =	simm.s32 $0x4800;
	s28 =	simm.s32 $0x6  }
0x6: {  	s29 =	simm.s32 $0x6600;
	s30 =	simm.s32 $0x7;
	s31 =	simm.s32 $0x8  }
0x7: {  	s1 =	sand.u32 $0x1, s1;
	s2 =	sshll.u32 s2, $0x1;
	[smem:$0x7FF] =	sst s3  }
0x8: {  	s4 =	sadd.s32 $0x400, s0;
	s2 =	sor.u32 s1, s2;
	s1 =	ssub.s32 $0x2, s1  }
0x9: {  	s5 =	sadd.s32 $0x680400, s0;
	s7 =	smul.u32 $0x34000, s2;
	s23 =	sshrl.u32 s1, $0x1  }
0xa: {  	_ =	strace $0x80000047;
	s6 =	sshll.u32 s2, $0x7;
	s0 =	ssub.s32 s1, s23  }
0xb: {  	s11 =	sor.u32 $0x2, s6;
	s12 =	sor.u32 $0x3, s6;
	s24 =	sadd.s32 s4, s7  }
.Ltmp0:
0xc: {  	s0 =	smax.u32 s0, $0x1;
	[dreg:$0x3] =	wrdreg s24;
	(pc) =	sbr.rel .LBB2_1-.Ltmp0, $4  }
0xd: {  	s23 =	simm.s32 $0x5;
	s25 =	sadd.s32 $0x300, s24;
	[dreg:$0x7] =	wrdreg s0  }
0xe: {  	s26 =	sadd.s32 $0x600, s24;
	s1 =	sadd.s32 $0xC80, s24;
	[dreg:$0x4] =	wrdreg s25  }
0xf: {  	s24 =	simm.s32 $0x6400;
	s0 =	simm.s32 $0x0;
	[dreg:$0x5] =	wrdreg s26  }
0x10: {  	[dreg:$0x6] =	wrdreg s1;
	s25 =	simm.s32 $0x3;
	s26 =	simm.s32 $0x4  }
.LBB2_16:
0x11: {  	_ =	swait.ge [sflag:s25], $0x1800  }
0x12: {  	[sflag:s25] =	ssyncset.done $0x0  }
0x13: {  	[sflag:s25] =	ssyncadd.s32 $0xFFFFE800  }
0x14: {  	_ =	swait.ge [sflag:s26], $0x1800  }
0x15: {  	[sflag:s26] =	ssyncset.done $0x0  }
0x16: {  	[sflag:s26] =	ssyncadd.s32 $0xFFFFE800  }
0x17: {  	_ =	swait.ge [sflag:s30], $0x200  }
0x18: {  	[sflag:s30] =	ssyncset.done $0x0  }
0x19: {  	[sflag:s30] =	ssyncadd.s32 $0xFFFFFE00  }
0x1a: {  	_ =	swait.ge [sflag:s31], $0x200  }
0x1b: {  	s0 =	sadd.s32 $0x1, s0;
	s1 =	rddreg [dreg:$0x7]  }
0x1c: {  	p0 =	sne.s32 s0, s1  }
.Ltmp1:
0x1d: {  	_ = 	snop;
	(pc) =	sbr.rel @!p0 .LBB2_17-.Ltmp1, $3  }
0x1e: {  	_ =	sdelay $0x1  }
0x1f: {  	[sflag:s31] =	ssyncset.done $0x0  }
0x20: {  	[sflag:s31] =	ssyncadd.s32 $0xFFFFFE00  }
.LBB2_1:
0x21: {  	s1 =	rddreg [dreg:$0x1];
	s2 =	simm.s32 $0x6800;
	s9 =	simm.s32 $0x9  }
0x22: {  	[tilespmem:s2], [sflag:$0x9] =	stream.linear.gather [hbm4b:s1+s3], $0x80, $0x38;
	[tilespmem:$0x6880] =	vst v63  }
0x23: {  	_ =	swait.ge [sflag:s9], $0x80  }
0x24: {  	[sflag:s9] =	ssyncset.done $0x0  }
0x25: {  	[sflag:s9] =	ssyncadd.s32 $0xFFFFFF80  }
0x26: {  	v0 =	vld [tilespmem:$0x6800]  }
0x27: {  	v1 =	vld [tilespmem:$0x6810]  }
0x28: {  	v2 =	vld [tilespmem:$0x6820]  }
0x29: {  	v3 =	vld [tilespmem:$0x6830]  }
0x2a: {  	v4 =	vld [tilespmem:$0x6840]  }
0x2b: {  	v5 =	vld [tilespmem:$0x6850]  }
0x2c: {  	s10 =	rddreg [dreg:$0x3];
	v6 =	vld [tilespmem:$0x6860]  }
0x2d: {  	v7 =	vld [tilespmem:$0x6870];
	[tilespmem:s3], [sflag:$0x1] =	stream.linear.gather [hbm4b:s10+s3], $0x1800, $0x38  }
0x2e: {  	s13 =	rddreg [dreg:$0x4]  }
0x2f: {  	[tilespmem:s16], [sflag:$0x2] =	stream.linear.gather [hbm4b:s13+s3], $0x1800, $0x38;
	[tilespmem:$0x6880] =	vst v63  }
0x30: {  	s14 =	rddreg [dreg:$0x5]  }
0x31: {  	[tilespmem:s17], [sflag:$0x5] =	stream.linear.gather [hbm4b:s14+s3], $0x200, $0x38;
	[tilespmem:$0x6880] =	vst v63  }
0x32: {  	s1 =	simm.s32 $0x0;
	s15 =	rddreg [dreg:$0x6]  }
0x33: {  	[tilespmem:s18], [sflag:$0x6] =	stream.linear.gather [hbm4b:s15+s3], $0x200, $0x38;
	[tilespmem:$0x6880] =	vst v63  }
.LBB2_2:
0x34: {  	_ =	swait.ge [sflag:s19], $0x1800;
	s2 =	simm.s32 $0x0  }
0x35: {  	p0 =	seq.s32 s1, $0x0;
	[sflag:s19] =	ssyncset.done $0x0;
	v8 =	vadd.s32 s2, v0  }
0x36: {  	s7 =	simm.s32 @!p0 $0x3;
	[sflag:s19] =	ssyncadd.s32 $0xFFFFE800  }
0x37: {  	_ =	swait.ge @!p0 [sflag:s7], $0x1800  }
0x38: {  	[sflag:s7] =	ssyncset.done @!p0 $0x0  }
0x39: {  	[sflag:s7] =	ssyncadd.s32 @!p0 $0xFFFFE800  }
0x3a: {  	v8 =	vld.idx.msk [tilespmem:v8+s3+$0x0], $0xffff  }
0x3b: {  	v9 =	vadd.s32 s2, v1;
	_ =	sdelay $0x2  }
0x3c: {  	s8 =	simm.s32 $0x3080  }
0x3d: {  	[tilespmem:s8+$0xFFFFFF80] =	vst v8  }
0x3e: {  	v8 =	vld.idx.msk [tilespmem:v9+s3+$0x0], $0xffff  }
0x3f: {  	v9 =	vadd.s32 s2, v2;
	_ =	sdelay $0x3  }
0x40: {  	[tilespmem:s8+$0xFFFFFF90] =	vst v8  }
0x41: {  	v8 =	vld.idx.msk [tilespmem:v9+s3+$0x0], $0xffff  }
0x42: {  	v9 =	vadd.s32 s2, v3;
	_ =	sdelay $0x3  }
0x43: {  	[tilespmem:s8+$0xFFFFFFA0] =	vst v8  }
0x44: {  	v8 =	vld.idx.msk [tilespmem:v9+s3+$0x0], $0xffff  }
0x45: {  	v9 =	vadd.s32 s2, v4;
	_ =	sdelay $0x3  }
0x46: {  	[tilespmem:s8+$0xFFFFFFB0] =	vst v8  }
0x47: {  	v8 =	vld.idx.msk [tilespmem:v9+s3+$0x0], $0xffff  }
0x48: {  	v9 =	vadd.s32 s2, v5;
	_ =	sdelay $0x3  }
0x49: {  	[tilespmem:s8+$0xFFFFFFC0] =	vst v8  }
0x4a: {  	v8 =	vld.idx.msk [tilespmem:v9+s3+$0x0], $0xffff  }
0x4b: {  	v9 =	vadd.s32 s2, v6;
	_ =	sdelay $0x3  }
0x4c: {  	[tilespmem:s8+$0xFFFFFFD0] =	vst v8  }
0x4d: {  	v8 =	vld.idx.msk [tilespmem:v9+s3+$0x0], $0xffff  }
0x4e: {  	v9 =	vadd.s32 s2, v7;
	_ =	sdelay $0x3  }
0x4f: {  	[tilespmem:s8+$0xFFFFFFE0] =	vst v8  }
0x50: {  	s15 =	simm.s32 $0x80;
	v8 =	vld.idx.msk [tilespmem:v9+s3+$0x0], $0xffff  }
0x51: {  	v9 =	vadd.s32 s15, v0;
	_ =	sdelay $0x3  }
0x52: {  	[tilespmem:s8+$0xFFFFFFF0] =	vst v8  }
0x53: {  	v8 =	vld.idx.msk [tilespmem:v9+s3+$0x0], $0xffff  }
0x54: {  	v9 =	vadd.s32 s15, v1;
	_ =	sdelay $0x3  }
0x55: {  	[tilespmem:s8+$0x0] =	vst v8  }
0x56: {  	v8 =	vld.idx.msk [tilespmem:v9+s3+$0x0], $0xffff  }
0x57: {  	v9 =	vadd.s32 s15, v2;
	_ =	sdelay $0x3  }
0x58: {  	[tilespmem:s8+$0x10] =	vst v8  }
0x59: {  	v8 =	vld.idx.msk [tilespmem:v9+s3+$0x0], $0xffff  }
0x5a: {  	v9 =	vadd.s32 s15, v3;
	_ =	sdelay $0x3  }
0x5b: {  	[tilespmem:s8+$0x20] =	vst v8  }
0x5c: {  	v8 =	vld.idx.msk [tilespmem:v9+s3+$0x0], $0xffff  }
0x5d: {  	v9 =	vadd.s32 s15, v4;
	_ =	sdelay $0x3  }
0x5e: {  	[tilespmem:s8+$0x30] =	vst v8  }
0x5f: {  	v8 =	vld.idx.msk [tilespmem:v9+s3+$0x0], $0xffff  }
0x60: {  	v9 =	vadd.s32 s15, v5;
	_ =	sdelay $0x3  }
0x61: {  	[tilespmem:s8+$0x40] =	vst v8  }
0x62: {  	v8 =	vld.idx.msk [tilespmem:v9+s3+$0x0], $0xffff  }
0x63: {  	v9 =	vadd.s32 s15, v6;
	_ =	sdelay $0x3  }
0x64: {  	[tilespmem:s8+$0x50] =	vst v8  }
0x65: {  	v8 =	vld.idx.msk [tilespmem:v9+s3+$0x0], $0xffff  }
0x66: {  	v9 =	vadd.s32 s15, v7;
	_ =	sdelay $0x3  }
0x67: {  	[tilespmem:s8+$0x60] =	vst v8  }
0x68: {  	s9 =	simm.s32 $0x4;
	s7 =	simm.s32 $0x100;
	s2 =	sshll.u32 s1, $0x1;
	v8 =	vld.idx.msk [tilespmem:v9+s3+$0x0], $0xffff  }
.LBB2_3:
0x69: {  	p1 =	slt.u32 s9, $0x2E;
	v9 =	vadd.s32 s7, v0;
	_ =	sdelay $0x3  }
0x6a: {  	[tilespmem:s8+$0x70] =	vst v8  }
0x6b: {  	v8 =	vld.idx.msk [tilespmem:v9+s3+$0x0], $0xffff;
	_ =	sdelay $0x1  }
0x6c: {  	v9 =	vadd.s32 s7, v1;
	_ =	sdelay $0x2  }
0x6d: {  	s8 =	sadd.s32 $0x100, s8  }
0x6e: {  	[tilespmem:s8+$0xFFFFFF80] =	vst v8  }
0x6f: {  	v8 =	vld.idx.msk [tilespmem:v9+s3+$0x0], $0xffff;
	_ =	sdelay $0x1  }
0x70: {  	v9 =	vadd.s32 s7, v2;
	_ =	sdelay $0x3  }
0x71: {  	[tilespmem:s8+$0xFFFFFF90] =	vst v8  }
0x72: {  	v8 =	vld.idx.msk [tilespmem:v9+s3+$0x0], $0xffff;
	_ =	sdelay $0x1  }
0x73: {  	v9 =	vadd.s32 s7, v3;
	_ =	sdelay $0x3  }
0x74: {  	[tilespmem:s8+$0xFFFFFFA0] =	vst v8  }
0x75: {  	v8 =	vld.idx.msk [tilespmem:v9+s3+$0x0], $0xffff;
	_ =	sdelay $0x1  }
0x76: {  	v9 =	vadd.s32 s7, v4;
	_ =	sdelay $0x3  }
0x77: {  	[tilespmem:s8+$0xFFFFFFB0] =	vst v8  }
0x78: {  	v8 =	vld.idx.msk [tilespmem:v9+s3+$0x0], $0xffff;
	_ =	sdelay $0x1  }
0x79: {  	v9 =	vadd.s32 s7, v5;
	_ =	sdelay $0x3  }
0x7a: {  	[tilespmem:s8+$0xFFFFFFC0] =	vst v8  }
0x7b: {  	v8 =	vld.idx.msk [tilespmem:v9+s3+$0x0], $0xffff;
	_ =	sdelay $0x1  }
0x7c: {  	v9 =	vadd.s32 s7, v6;
	_ =	sdelay $0x3  }
0x7d: {  	[tilespmem:s8+$0xFFFFFFD0] =	vst v8  }
0x7e: {  	v8 =	vld.idx.msk [tilespmem:v9+s3+$0x0], $0xffff;
	_ =	sdelay $0x1  }
0x7f: {  	v9 =	vadd.s32 s7, v7;
	_ =	sdelay $0x3  }
0x80: {  	[tilespmem:s8+$0xFFFFFFE0] =	vst v8  }
0x81: {  	v8 =	vld.idx.msk [tilespmem:v9+s3+$0x0], $0xffff  }
0x82: {  	s7 =	sadd.s32 $0x80, s7  }
0x83: {  	v9 =	vadd.s32 s7, v0;
	_ =	sdelay $0x3  }
0x84: {  	[tilespmem:s8+$0xFFFFFFF0] =	vst v8  }
0x85: {  	v8 =	vld.idx.msk [tilespmem:v9+s3+$0x0], $0xffff;
	_ =	sdelay $0x1  }
0x86: {  	v9 =	vadd.s32 s7, v1;
	_ =	sdelay $0x3  }
0x87: {  	[tilespmem:s8+$0x0] =	vst v8  }
0x88: {  	v8 =	vld.idx.msk [tilespmem:v9+s3+$0x0], $0xffff;
	_ =	sdelay $0x1  }
0x89: {  	v9 =	vadd.s32 s7, v2;
	_ =	sdelay $0x3  }
0x8a: {  	[tilespmem:s8+$0x10] =	vst v8  }
0x8b: {  	v8 =	vld.idx.msk [tilespmem:v9+s3+$0x0], $0xffff;
	_ =	sdelay $0x1  }
0x8c: {  	v9 =	vadd.s32 s7, v3;
	_ =	sdelay $0x3  }
0x8d: {  	[tilespmem:s8+$0x20] =	vst v8  }
0x8e: {  	v8 =	vld.idx.msk [tilespmem:v9+s3+$0x0], $0xffff;
	_ =	sdelay $0x1  }
0x8f: {  	v9 =	vadd.s32 s7, v4;
	_ =	sdelay $0x3  }
0x90: {  	[tilespmem:s8+$0x30] =	vst v8  }
0x91: {  	v8 =	vld.idx.msk [tilespmem:v9+s3+$0x0], $0xffff;
	_ =	sdelay $0x1  }
0x92: {  	v9 =	vadd.s32 s7, v5;
	_ =	sdelay $0x3  }
0x93: {  	[tilespmem:s8+$0x40] =	vst v8  }
0x94: {  	v8 =	vld.idx.msk [tilespmem:v9+s3+$0x0], $0xffff;
	_ =	sdelay $0x1  }
0x95: {  	v9 =	vadd.s32 s7, v6;
	_ =	sdelay $0x3  }
0x96: {  	[tilespmem:s8+$0x50] =	vst v8  }
0x97: {  	v8 =	vld.idx.msk [tilespmem:v9+s3+$0x0], $0xffff;
	_ =	sdelay $0x1  }
0x98: {  	v9 =	vadd.s32 s7, v7;
	_ =	sdelay $0x1  }
.Ltmp2:
0x99: {  	(pc) =	sbr.rel @p1 .LBB2_3-.Ltmp2, $4  }
0x9a: {  	_ = 	snop  }
0x9b: {  	[tilespmem:s8+$0x60] =	vst v8  }
0x9c: {  	v8 =	vld.idx.msk [tilespmem:v9+s3+$0x0], $0xffff  }
0x9d: {  	s7 =	sshll.u32 s9, $0x7;
	s9 =	sadd.s32 $0x2, s9  }
0x9e: {  	v9 =	vadd.s32 s7, v0;
	_ =	sdelay $0x3  }
0x9f: {  	[tilespmem:s8+$0x70] =	vst v8  }
0xa0: {  	v8 =	vld.idx.msk [tilespmem:v9+s3+$0x0], $0xffff  }
0xa1: {  	v9 =	vadd.s32 s7, v1;
	_ =	sdelay $0x2  }
0xa2: {  	s9 =	sadd.s32 $0x100, s8  }
0xa3: {  	[tilespmem:s9+$0xFFFFFF80] =	vst v8  }
0xa4: {  	v8 =	vld.idx.msk [tilespmem:v9+s3+$0x0], $0xffff  }
0xa5: {  	v9 =	vadd.s32 s7, v2;
	_ =	sdelay $0x3  }
0xa6: {  	[tilespmem:s9+$0xFFFFFF90] =	vst v8  }
0xa7: {  	v8 =	vld.idx.msk [tilespmem:v9+s3+$0x0], $0xffff  }
0xa8: {  	v9 =	vadd.s32 s7, v3;
	_ =	sdelay $0x3  }
0xa9: {  	[tilespmem:s9+$0xFFFFFFA0] =	vst v8  }
0xaa: {  	v8 =	vld.idx.msk [tilespmem:v9+s3+$0x0], $0xffff  }
0xab: {  	v9 =	vadd.s32 s7, v4;
	_ =	sdelay $0x3  }
0xac: {  	[tilespmem:s9+$0xFFFFFFB0] =	vst v8  }
0xad: {  	v8 =	vld.idx.msk [tilespmem:v9+s3+$0x0], $0xffff  }
0xae: {  	v9 =	vadd.s32 s7, v5;
	_ =	sdelay $0x3  }
0xaf: {  	[tilespmem:s9+$0xFFFFFFC0] =	vst v8  }
0xb0: {  	v8 =	vld.idx.msk [tilespmem:v9+s3+$0x0], $0xffff  }
0xb1: {  	v9 =	vadd.s32 s7, v6;
	_ =	sdelay $0x3  }
0xb2: {  	[tilespmem:s9+$0xFFFFFFD0] =	vst v8  }
0xb3: {  	v8 =	vld.idx.msk [tilespmem:v9+s3+$0x0], $0xffff  }
0xb4: {  	v9 =	vadd.s32 s7, v7;
	_ =	sdelay $0x3  }
0xb5: {  	[tilespmem:s9+$0xFFFFFFE0] =	vst v8  }
0xb6: {  	s14 =	sadd.s32 $0x80, s7;
	v8 =	vld.idx.msk [tilespmem:v9+s3+$0x0], $0xffff  }
0xb7: {  	v9 =	vadd.s32 s14, v0;
	_ =	sdelay $0x3  }
0xb8: {  	[tilespmem:s9+$0xFFFFFFF0] =	vst v8  }
0xb9: {  	v8 =	vld.idx.msk [tilespmem:v9+s3+$0x0], $0xffff  }
0xba: {  	v9 =	vadd.s32 s14, v1;
	_ =	sdelay $0x3  }
0xbb: {  	[tilespmem:s9+$0x0] =	vst v8  }
0xbc: {  	v8 =	vld.idx.msk [tilespmem:v9+s3+$0x0], $0xffff  }
0xbd: {  	v9 =	vadd.s32 s14, v2;
	_ =	sdelay $0x3  }
0xbe: {  	[tilespmem:s9+$0x10] =	vst v8  }
0xbf: {  	v8 =	vld.idx.msk [tilespmem:v9+s3+$0x0], $0xffff  }
0xc0: {  	v9 =	vadd.s32 s14, v3;
	_ =	sdelay $0x3  }
0xc1: {  	[tilespmem:s9+$0x20] =	vst v8  }
0xc2: {  	v8 =	vld.idx.msk [tilespmem:v9+s3+$0x0], $0xffff  }
0xc3: {  	v9 =	vadd.s32 s14, v4;
	_ =	sdelay $0x3  }
0xc4: {  	[tilespmem:s9+$0x30] =	vst v8  }
0xc5: {  	v8 =	vld.idx.msk [tilespmem:v9+s3+$0x0], $0xffff  }
0xc6: {  	v9 =	vadd.s32 s14, v5;
	_ =	sdelay $0x3  }
0xc7: {  	[tilespmem:s9+$0x40] =	vst v8  }
0xc8: {  	v8 =	vld.idx.msk [tilespmem:v9+s3+$0x0], $0xffff  }
0xc9: {  	v9 =	vadd.s32 s14, v6;
	_ =	sdelay $0x3  }
0xca: {  	[tilespmem:s9+$0x50] =	vst v8  }
0xcb: {  	v8 =	vld.idx.msk [tilespmem:v9+s3+$0x0], $0xffff  }
0xcc: {  	v9 =	vadd.s32 s14, v7;
	_ =	sdelay $0x3  }
0xcd: {  	[tilespmem:s9+$0x60] =	vst v8  }
0xce: {  	v8 =	vld.idx.msk [tilespmem:v9+s3+$0x0], $0xffff;
	_ =	sdelay $0x1  }
0xcf: {  	s14 =	sor.u32 s6, s2  }
0xd0: {  	s8 =	sor.u32 $0x1, s2;
	s15 =	smul.u32 $0x680, s14  }
0xd1: {  	s10 =	sor.u32 s6, s8  }
0xd2: {  	s7 =	sadd.s32 s5, s15;
	[tilespmem:s9+$0x70] =	vst v8;
	s9 =	smul.u32 $0x680, s10  }
0xd3: {  	[hbm4b:s7+s3] =	stream.linear.scatter [tilespmem:s20], [sflag:$0x3], $0x1800, $0x38;
	[tilespmem:$0x6880] =	vst v63  }
0xd4: {  	s13 =	sadd.s32 s4, s9  }
0xd5: {  	[tilespmem:s3], [sflag:$0x1] =	stream.linear.gather [hbm4b:s13+s3], $0x1800, $0x38;
	[tilespmem:$0x6880] =	vst v63  }
0xd6: {  	s15 =	simm.s32 $0x0;
	_ =	swait.ge [sflag:s21], $0x1800  }
0xd7: {  	v8 =	vadd.s32 s15, v0;
	[sflag:s21] =	ssyncset.done $0x0  }
0xd8: {  	s13 =	simm.s32 @!p0 $0x4;
	[sflag:s21] =	ssyncadd.s32 $0xFFFFE800  }
0xd9: {  	_ =	swait.ge @!p0 [sflag:s13], $0x1800  }
0xda: {  	[sflag:s13] =	ssyncset.done @!p0 $0x0  }
0xdb: {  	[sflag:s13] =	ssyncadd.s32 @!p0 $0xFFFFE800  }
0xdc: {  	v8 =	vld.idx.msk [tilespmem:v8+s16+$0x0], $0xffff  }
0xdd: {  	v9 =	vadd.s32 s15, v1;
	_ =	sdelay $0x2  }
0xde: {  	s13 =	simm.s32 $0x4880  }
0xdf: {  	[tilespmem:s13+$0xFFFFFF80] =	vst v8  }
0xe0: {  	v8 =	vld.idx.msk [tilespmem:v9+s16+$0x0], $0xffff  }
0xe1: {  	v9 =	vadd.s32 s15, v2;
	_ =	sdelay $0x3  }
0xe2: {  	[tilespmem:s13+$0xFFFFFF90] =	vst v8  }
0xe3: {  	v8 =	vld.idx.msk [tilespmem:v9+s16+$0x0], $0xffff  }
0xe4: {  	v9 =	vadd.s32 s15, v3;
	_ =	sdelay $0x3  }
0xe5: {  	[tilespmem:s13+$0xFFFFFFA0] =	vst v8  }
0xe6: {  	v8 =	vld.idx.msk [tilespmem:v9+s16+$0x0], $0xffff  }
0xe7: {  	v9 =	vadd.s32 s15, v4;
	_ =	sdelay $0x3  }
0xe8: {  	[tilespmem:s13+$0xFFFFFFB0] =	vst v8  }
0xe9: {  	v8 =	vld.idx.msk [tilespmem:v9+s16+$0x0], $0xffff  }
0xea: {  	v9 =	vadd.s32 s15, v5;
	_ =	sdelay $0x3  }
0xeb: {  	[tilespmem:s13+$0xFFFFFFC0] =	vst v8  }
0xec: {  	v8 =	vld.idx.msk [tilespmem:v9+s16+$0x0], $0xffff  }
0xed: {  	v9 =	vadd.s32 s15, v6;
	_ =	sdelay $0x3  }
0xee: {  	[tilespmem:s13+$0xFFFFFFD0] =	vst v8  }
0xef: {  	v8 =	vld.idx.msk [tilespmem:v9+s16+$0x0], $0xffff  }
0xf0: {  	v9 =	vadd.s32 s15, v7;
	_ =	sdelay $0x3  }
0xf1: {  	[tilespmem:s13+$0xFFFFFFE0] =	vst v8  }
0xf2: {  	s15 =	simm.s32 $0x80;
	v8 =	vld.idx.msk [tilespmem:v9+s16+$0x0], $0xffff  }
0xf3: {  	v9 =	vadd.s32 s15, v0;
	_ =	sdelay $0x3  }
0xf4: {  	[tilespmem:s13+$0xFFFFFFF0] =	vst v8  }
0xf5: {  	v8 =	vld.idx.msk [tilespmem:v9+s16+$0x0], $0xffff  }
0xf6: {  	v9 =	vadd.s32 s15, v1;
	_ =	sdelay $0x3  }
0xf7: {  	[tilespmem:s13+$0x0] =	vst v8  }
0xf8: {  	v8 =	vld.idx.msk [tilespmem:v9+s16+$0x0], $0xffff  }
0xf9: {  	v9 =	vadd.s32 s15, v2;
	_ =	sdelay $0x3  }
0xfa: {  	[tilespmem:s13+$0x10] =	vst v8  }
0xfb: {  	v8 =	vld.idx.msk [tilespmem:v9+s16+$0x0], $0xffff  }
0xfc: {  	v9 =	vadd.s32 s15, v3;
	_ =	sdelay $0x3  }
0xfd: {  	[tilespmem:s13+$0x20] =	vst v8  }
0xfe: {  	v8 =	vld.idx.msk [tilespmem:v9+s16+$0x0], $0xffff  }
0xff: {  	v9 =	vadd.s32 s15, v4;
	_ =	sdelay $0x3  }
0x100: {  	[tilespmem:s13+$0x30] =	vst v8  }
0x101: {  	v8 =	vld.idx.msk [tilespmem:v9+s16+$0x0], $0xffff  }
0x102: {  	v9 =	vadd.s32 s15, v5;
	_ =	sdelay $0x3  }
0x103: {  	[tilespmem:s13+$0x40] =	vst v8  }
0x104: {  	v8 =	vld.idx.msk [tilespmem:v9+s16+$0x0], $0xffff  }
0x105: {  	v9 =	vadd.s32 s15, v6;
	_ =	sdelay $0x3  }
0x106: {  	[tilespmem:s13+$0x50] =	vst v8  }
0x107: {  	v8 =	vld.idx.msk [tilespmem:v9+s16+$0x0], $0xffff  }
0x108: {  	v9 =	vadd.s32 s15, v7;
	_ =	sdelay $0x3  }
0x109: {  	[tilespmem:s13+$0x60] =	vst v8  }
0x10a: {  	s7 =	simm.s32 $0x4;
	s15 =	simm.s32 $0x100;
	v8 =	vld.idx.msk [tilespmem:v9+s16+$0x0], $0xffff  }
.LBB2_5:
0x10b: {  	p1 =	slt.u32 s7, $0x2E;
	v9 =	vadd.s32 s15, v0;
	_ =	sdelay $0x3  }
0x10c: {  	[tilespmem:s13+$0x70] =	vst v8  }
0x10d: {  	v8 =	vld.idx.msk [tilespmem:v9+s16+$0x0], $0xffff;
	_ =	sdelay $0x1  }
0x10e: {  	v9 =	vadd.s32 s15, v1;
	_ =	sdelay $0x2  }
0x10f: {  	s13 =	sadd.s32 $0x100, s13  }
0x110: {  	[tilespmem:s13+$0xFFFFFF80] =	vst v8  }
0x111: {  	v8 =	vld.idx.msk [tilespmem:v9+s16+$0x0], $0xffff;
	_ =	sdelay $0x1  }
0x112: {  	v9 =	vadd.s32 s15, v2;
	_ =	sdelay $0x3  }
0x113: {  	[tilespmem:s13+$0xFFFFFF90] =	vst v8  }
0x114: {  	v8 =	vld.idx.msk [tilespmem:v9+s16+$0x0], $0xffff;
	_ =	sdelay $0x1  }
0x115: {  	v9 =	vadd.s32 s15, v3;
	_ =	sdelay $0x3  }
0x116: {  	[tilespmem:s13+$0xFFFFFFA0] =	vst v8  }
0x117: {  	v8 =	vld.idx.msk [tilespmem:v9+s16+$0x0], $0xffff;
	_ =	sdelay $0x1  }
0x118: {  	v9 =	vadd.s32 s15, v4;
	_ =	sdelay $0x3  }
0x119: {  	[tilespmem:s13+$0xFFFFFFB0] =	vst v8  }
0x11a: {  	v8 =	vld.idx.msk [tilespmem:v9+s16+$0x0], $0xffff;
	_ =	sdelay $0x1  }
0x11b: {  	v9 =	vadd.s32 s15, v5;
	_ =	sdelay $0x3  }
0x11c: {  	[tilespmem:s13+$0xFFFFFFC0] =	vst v8  }
0x11d: {  	v8 =	vld.idx.msk [tilespmem:v9+s16+$0x0], $0xffff;
	_ =	sdelay $0x1  }
0x11e: {  	v9 =	vadd.s32 s15, v6;
	_ =	sdelay $0x3  }
0x11f: {  	[tilespmem:s13+$0xFFFFFFD0] =	vst v8  }
0x120: {  	v8 =	vld.idx.msk [tilespmem:v9+s16+$0x0], $0xffff;
	_ =	sdelay $0x1  }
0x121: {  	v9 =	vadd.s32 s15, v7;
	_ =	sdelay $0x3  }
0x122: {  	[tilespmem:s13+$0xFFFFFFE0] =	vst v8  }
0x123: {  	v8 =	vld.idx.msk [tilespmem:v9+s16+$0x0], $0xffff  }
0x124: {  	s15 =	sadd.s32 $0x80, s15  }
0x125: {  	v9 =	vadd.s32 s15, v0;
	_ =	sdelay $0x3  }
0x126: {  	[tilespmem:s13+$0xFFFFFFF0] =	vst v8  }
0x127: {  	v8 =	vld.idx.msk [tilespmem:v9+s16+$0x0], $0xffff;
	_ =	sdelay $0x1  }
0x128: {  	v9 =	vadd.s32 s15, v1;
	_ =	sdelay $0x3  }
0x129: {  	[tilespmem:s13+$0x0] =	vst v8  }
0x12a: {  	v8 =	vld.idx.msk [tilespmem:v9+s16+$0x0], $0xffff;
	_ =	sdelay $0x1  }
0x12b: {  	v9 =	vadd.s32 s15, v2;
	_ =	sdelay $0x3  }
0x12c: {  	[tilespmem:s13+$0x10] =	vst v8  }
0x12d: {  	v8 =	vld.idx.msk [tilespmem:v9+s16+$0x0], $0xffff;
	_ =	sdelay $0x1  }
0x12e: {  	v9 =	vadd.s32 s15, v3;
	_ =	sdelay $0x3  }
0x12f: {  	[tilespmem:s13+$0x20] =	vst v8  }
0x130: {  	v8 =	vld.idx.msk [tilespmem:v9+s16+$0x0], $0xffff;
	_ =	sdelay $0x1  }
0x131: {  	v9 =	vadd.s32 s15, v4;
	_ =	sdelay $0x3  }
0x132: {  	[tilespmem:s13+$0x30] =	vst v8  }
0x133: {  	v8 =	vld.idx.msk [tilespmem:v9+s16+$0x0], $0xffff;
	_ =	sdelay $0x1  }
0x134: {  	v9 =	vadd.s32 s15, v5;
	_ =	sdelay $0x3  }
0x135: {  	[tilespmem:s13+$0x40] =	vst v8  }
0x136: {  	v8 =	vld.idx.msk [tilespmem:v9+s16+$0x0], $0xffff;
	_ =	sdelay $0x1  }
0x137: {  	v9 =	vadd.s32 s15, v6;
	_ =	sdelay $0x3  }
0x138: {  	[tilespmem:s13+$0x50] =	vst v8  }
0x139: {  	v8 =	vld.idx.msk [tilespmem:v9+s16+$0x0], $0xffff;
	_ =	sdelay $0x1  }
0x13a: {  	v9 =	vadd.s32 s15, v7;
	_ =	sdelay $0x1  }
.Ltmp3:
0x13b: {  	(pc) =	sbr.rel @p1 .LBB2_5-.Ltmp3, $4  }
0x13c: {  	_ = 	snop  }
0x13d: {  	[tilespmem:s13+$0x60] =	vst v8  }
0x13e: {  	v8 =	vld.idx.msk [tilespmem:v9+s16+$0x0], $0xffff  }
0x13f: {  	s15 =	sshll.u32 s7, $0x7;
	s7 =	sadd.s32 $0x2, s7  }
0x140: {  	v9 =	vadd.s32 s15, v0;
	_ =	sdelay $0x3  }
0x141: {  	[tilespmem:s13+$0x70] =	vst v8  }
0x142: {  	v8 =	vld.idx.msk [tilespmem:v9+s16+$0x0], $0xffff  }
0x143: {  	v49 =	vadd.s32 s15, v1;
	_ =	sdelay $0x2  }
0x144: {  	s13 =	sadd.s32 $0x100, s13  }
0x145: {  	[tilespmem:s13+$0xFFFFFF80] =	vst v8  }
0x146: {  	v8 =	vld.idx.msk [tilespmem:v49+s16+$0x0], $0xffff  }
0x147: {  	v50 =	vadd.s32 s15, v2;
	_ =	sdelay $0x3  }
0x148: {  	[tilespmem:s13+$0xFFFFFF90] =	vst v8  }
0x149: {  	v8 =	vld.idx.msk [tilespmem:v50+s16+$0x0], $0xffff  }
0x14a: {  	v51 =	vadd.s32 s15, v3;
	_ =	sdelay $0x3  }
0x14b: {  	[tilespmem:s13+$0xFFFFFFA0] =	vst v8  }
0x14c: {  	v8 =	vld.idx.msk [tilespmem:v51+s16+$0x0], $0xffff  }
0x14d: {  	v52 =	vadd.s32 s15, v4;
	_ =	sdelay $0x3  }
0x14e: {  	[tilespmem:s13+$0xFFFFFFB0] =	vst v8  }
0x14f: {  	v8 =	vld.idx.msk [tilespmem:v52+s16+$0x0], $0xffff  }
0x150: {  	v53 =	vadd.s32 s15, v5;
	_ =	sdelay $0x3  }
0x151: {  	[tilespmem:s13+$0xFFFFFFC0] =	vst v8  }
0x152: {  	v8 =	vld.idx.msk [tilespmem:v53+s16+$0x0], $0xffff  }
0x153: {  	v54 =	vadd.s32 s15, v6;
	_ =	sdelay $0x3  }
0x154: {  	[tilespmem:s13+$0xFFFFFFD0] =	vst v8  }
0x155: {  	v8 =	vld.idx.msk [tilespmem:v54+s16+$0x0], $0xffff  }
0x156: {  	v55 =	vadd.s32 s15, v7;
	_ =	sdelay $0x3  }
0x157: {  	[tilespmem:s13+$0xFFFFFFE0] =	vst v8  }
0x158: {  	s7 =	sadd.s32 $0x80, s15;
	v8 =	vld.idx.msk [tilespmem:v55+s16+$0x0], $0xffff  }
0x159: {  	v56 =	vadd.s32 s7, v0;
	_ =	sdelay $0x3  }
0x15a: {  	[tilespmem:s13+$0xFFFFFFF0] =	vst v8  }
0x15b: {  	v8 =	vld.idx.msk [tilespmem:v56+s16+$0x0], $0xffff  }
0x15c: {  	v57 =	vadd.s32 s7, v1;
	_ =	sdelay $0x3  }
0x15d: {  	[tilespmem:s13+$0x0] =	vst v8  }
0x15e: {  	v8 =	vld.idx.msk [tilespmem:v57+s16+$0x0], $0xffff  }
0x15f: {  	v58 =	vadd.s32 s7, v2;
	_ =	sdelay $0x3  }
0x160: {  	[tilespmem:s13+$0x10] =	vst v8  }
0x161: {  	v8 =	vld.idx.msk [tilespmem:v58+s16+$0x0], $0xffff  }
0x162: {  	v59 =	vadd.s32 s7, v3;
	_ =	sdelay $0x3  }
0x163: {  	[tilespmem:s13+$0x20] =	vst v8  }
0x164: {  	v8 =	vld.idx.msk [tilespmem:v59+s16+$0x0], $0xffff  }
0x165: {  	v60 =	vadd.s32 s7, v4;
	_ =	sdelay $0x3  }
0x166: {  	[tilespmem:s13+$0x30] =	vst v8  }
0x167: {  	v8 =	vld.idx.msk [tilespmem:v60+s16+$0x0], $0xffff  }
0x168: {  	v61 =	vadd.s32 s7, v5;
	_ =	sdelay $0x3  }
0x169: {  	[tilespmem:s13+$0x40] =	vst v8  }
0x16a: {  	v8 =	vld.idx.msk [tilespmem:v61+s16+$0x0], $0xffff  }
0x16b: {  	v62 =	vadd.s32 s7, v6;
	_ =	sdelay $0x3  }
0x16c: {  	[tilespmem:s13+$0x50] =	vst v8  }
0x16d: {  	v8 =	vld.idx.msk [tilespmem:v62+s16+$0x0], $0xffff  }
0x16e: {  	v63 =	vadd.s32 s7, v7;
	_ =	sdelay $0x3  }
0x16f: {  	[tilespmem:s13+$0x60] =	vst v8  }
0x170: {  	v8 =	vld.idx.msk [tilespmem:v63+s16+$0x0], $0xffff  }
0x171: {  	s15 =	smul.u32 $0x3400, s14;
	_ =	sdelay $0x1  }
0x172: {  	s7 =	sshrl.u32 s15, $0x3  }
0x173: {  	s7 =	sadd.s32 s5, s7  }
0x174: {  	s10 =	smul.u32 $0x3400, s10;
	s14 =	sadd.s32 $0x300, s7;
	[tilespmem:s13+$0x70] =	vst v8  }
0x175: {  	[hbm4b:s14+s3] =	stream.linear.scatter [tilespmem:s22], [sflag:$0x4], $0x1800, $0x38;
	[tilespmem:$0x6880] =	vst v63  }
0x176: {  	s14 =	sshrl.u32 s10, $0x3  }
0x177: {  	s10 =	sadd.s32 $0x300, s14  }
0x178: {  	s15 =	sadd.s32 s4, s10  }
0x179: {  	[tilespmem:s16], [sflag:$0x2] =	stream.linear.gather [hbm4b:s15+s3], $0x1800, $0x38;
	[tilespmem:$0x6880] =	vst v63  }
0x17a: {  	_ =	swait.ge [sflag:s23], $0x200  }
0x17b: {  	[sflag:s23] =	ssyncset.done $0x0  }
0x17c: {  	s13 =	simm.s32 @!p0 $0x7;
	[sflag:s23] =	ssyncadd.s32 $0xFFFFFE00  }
0x17d: {  	_ =	swait.ge @!p0 [sflag:s13], $0x200  }
0x17e: {  	[sflag:s13] =	ssyncset.done @!p0 $0x0  }
0x17f: {  	p1 =	por $0x1, $0x1;
	[sflag:s13] =	ssyncadd.s32 @!p0 $0xFFFFFE00;
	s13 =	simm.s32 $0x0  }
.LBB2_7:
0x180: {  	s13 =	sshll.u32 s13, $0x7  }
0x181: {  	v8 =	vadd.s32 s13, v0;
	_ =	sdelay $0x4  }
0x182: {  	v8 =	vld.idx.msk [tilespmem:v8+s17+$0x0], $0xffff  }
0x183: {  	v9 =	vadd.s32 s13, v1;
	_ =	sdelay $0x2  }
0x184: {  	s15 =	sand.u32 $0x3FFFFF80, s13  }
0x185: {  	[tilespmem:s15+$0x6400] =	vst v8  }
0x186: {  	v8 =	vld.idx.msk [tilespmem:v9+s17+$0x0], $0xffff  }
0x187: {  	v50 =	vadd.s32 s13, v2;
	_ =	sdelay $0x3  }
0x188: {  	[tilespmem:s15+$0x6410] =	vst v8  }
0x189: {  	v8 =	vld.idx.msk [tilespmem:v50+s17+$0x0], $0xffff  }
0x18a: {  	v51 =	vadd.s32 s13, v3;
	_ =	sdelay $0x3  }
0x18b: {  	[tilespmem:s15+$0x6420] =	vst v8  }
0x18c: {  	v8 =	vld.idx.msk [tilespmem:v51+s17+$0x0], $0xffff  }
0x18d: {  	v52 =	vadd.s32 s13, v4;
	_ =	sdelay $0x3  }
0x18e: {  	[tilespmem:s15+$0x6430] =	vst v8  }
0x18f: {  	v8 =	vld.idx.msk [tilespmem:v52+s17+$0x0], $0xffff  }
0x190: {  	v53 =	vadd.s32 s13, v5;
	_ =	sdelay $0x3  }
0x191: {  	[tilespmem:s15+$0x6440] =	vst v8  }
0x192: {  	v8 =	vld.idx.msk [tilespmem:v53+s17+$0x0], $0xffff  }
0x193: {  	v54 =	vadd.s32 s13, v6;
	_ =	sdelay $0x3  }
0x194: {  	[tilespmem:s15+$0x6450] =	vst v8  }
0x195: {  	v8 =	vld.idx.msk [tilespmem:v54+s17+$0x0], $0xffff  }
0x196: {  	v55 =	vadd.s32 s13, v7;
	_ =	sdelay $0x3  }
0x197: {  	[tilespmem:s15+$0x6460] =	vst v8  }
0x198: {  	s13 =	sor.u32 $0x80, s13;
	v8 =	vld.idx.msk [tilespmem:v55+s17+$0x0], $0xffff  }
0x199: {  	v56 =	vadd.s32 s13, v0;
	_ =	sdelay $0x3  }
0x19a: {  	[tilespmem:s15+$0x6470] =	vst v8  }
0x19b: {  	v8 =	vld.idx.msk [tilespmem:v56+s17+$0x0], $0xffff  }
0x19c: {  	v57 =	vadd.s32 s13, v1;
	_ =	sdelay $0x2  }
0x19d: {  	s15 =	sand.u32 $0x3FFFFF80, s13  }
0x19e: {  	[tilespmem:s15+$0x6400] =	vst v8  }
0x19f: {  	v8 =	vld.idx.msk [tilespmem:v57+s17+$0x0], $0xffff  }
0x1a0: {  	v58 =	vadd.s32 s13, v2;
	_ =	sdelay $0x3  }
0x1a1: {  	[tilespmem:s15+$0x6410] =	vst v8  }
0x1a2: {  	v8 =	vld.idx.msk [tilespmem:v58+s17+$0x0], $0xffff  }
0x1a3: {  	v59 =	vadd.s32 s13, v3;
	_ =	sdelay $0x3  }
0x1a4: {  	[tilespmem:s15+$0x6420] =	vst v8  }
0x1a5: {  	v8 =	vld.idx.msk [tilespmem:v59+s17+$0x0], $0xffff  }
0x1a6: {  	v60 =	vadd.s32 s13, v4;
	_ =	sdelay $0x3  }
0x1a7: {  	[tilespmem:s15+$0x6430] =	vst v8  }
0x1a8: {  	v8 =	vld.idx.msk [tilespmem:v60+s17+$0x0], $0xffff  }
0x1a9: {  	v61 =	vadd.s32 s13, v5;
	_ =	sdelay $0x3  }
0x1aa: {  	[tilespmem:s15+$0x6440] =	vst v8  }
0x1ab: {  	v8 =	vld.idx.msk [tilespmem:v61+s17+$0x0], $0xffff  }
0x1ac: {  	v62 =	vadd.s32 s13, v6;
	_ =	sdelay $0x3  }
0x1ad: {  	[tilespmem:s15+$0x6450] =	vst v8  }
0x1ae: {  	v8 =	vld.idx.msk [tilespmem:v62+s17+$0x0], $0xffff  }
0x1af: {  	v63 =	vadd.s32 s13, v7;
	_ =	sdelay $0x3  }
0x1b0: {  	[tilespmem:s15+$0x6460] =	vst v8  }
0x1b1: {  	p2 =	por p1, p1;
	v8 =	vld.idx.msk [tilespmem:v63+s17+$0x0], $0xffff  }
.Ltmp4:
0x1b2: {  	_ = 	snop;
	(pc) =	sbr.rel @p2 .LBB2_7-.Ltmp4, $2  }
0x1b3: {  	_ =	sdelay $0x2  }
0x1b4: {  	p1 =	por $0x0, $0x0;
	s13 =	simm.s32 $0x2;
	[tilespmem:s15+$0x6470] =	vst v8  }
0x1b5: {  	p1 =	seq.s32 s1, $0x3F  }
0x1b6: {  	s13 =	sadd.s32 @!p1 s2, s11  }
0x1b7: {  	s7 =	sadd.s32 $0x600, s7;
	s13 =	smul.u32 @!p1 $0x3400, s13  }
0x1b8: {  	[hbm4b:s7+s3] =	stream.linear.scatter [tilespmem:s24], [sflag:$0x7], $0x200, $0x38;
	[tilespmem:$0x6880] =	vst v63  }
0x1b9: {  	s7 =	sshrl.u32 @!p1 s13, $0x3  }
0x1ba: {  	s7 =	sadd.s32 @!p1 s4, s7  }
0x1bb: {  	s15 =	simm.s32 @!p1 $0x6000;
	s13 =	simm.s32 @!p1 $0x0;
	s7 =	sadd.s32 @!p1 $0x600, s7  }
0x1bc: {  	[tilespmem:s15], [sflag:$0x5] =	stream.linear.gather @!p1 [hbm4b:s7+s13], $0x200, $0x38;
	[tilespmem:$0x6880] =	vst v63  }
0x1bd: {  	s15 =	simm.s32 $0x0;
	_ =	swait.ge [sflag:s19], $0x1800  }
0x1be: {  	v8 =	vadd.s32 s15, v0;
	[sflag:s19] =	ssyncset.done $0x0  }
0x1bf: {  	[sflag:s19] =	ssyncadd.s32 $0xFFFFE800  }
0x1c0: {  	_ =	swait.ge [sflag:s25], $0x1800  }
0x1c1: {  	[sflag:s25] =	ssyncset.done $0x0  }
0x1c2: {  	[sflag:s25] =	ssyncadd.s32 $0xFFFFE800  }
0x1c3: {  	v8 =	vld.idx.msk [tilespmem:v8+s3+$0x0], $0xffff  }
0x1c4: {  	v9 =	vadd.s32 s15, v1;
	_ =	sdelay $0x2  }
0x1c5: {  	s13 =	simm.s32 $0x3080  }
0x1c6: {  	[tilespmem:s13+$0xFFFFFF80] =	vst v8  }
0x1c7: {  	v8 =	vld.idx.msk [tilespmem:v9+s3+$0x0], $0xffff  }
0x1c8: {  	v9 =	vadd.s32 s15, v2;
	_ =	sdelay $0x3  }
0x1c9: {  	[tilespmem:s13+$0xFFFFFF90] =	vst v8  }
0x1ca: {  	v8 =	vld.idx.msk [tilespmem:v9+s3+$0x0], $0xffff  }
0x1cb: {  	v9 =	vadd.s32 s15, v3;
	_ =	sdelay $0x3  }
0x1cc: {  	[tilespmem:s13+$0xFFFFFFA0] =	vst v8  }
0x1cd: {  	v8 =	vld.idx.msk [tilespmem:v9+s3+$0x0], $0xffff  }
0x1ce: {  	v9 =	vadd.s32 s15, v4;
	_ =	sdelay $0x3  }
0x1cf: {  	[tilespmem:s13+$0xFFFFFFB0] =	vst v8  }
0x1d0: {  	v8 =	vld.idx.msk [tilespmem:v9+s3+$0x0], $0xffff  }
0x1d1: {  	v9 =	vadd.s32 s15, v5;
	_ =	sdelay $0x3  }
0x1d2: {  	[tilespmem:s13+$0xFFFFFFC0] =	vst v8  }
0x1d3: {  	v8 =	vld.idx.msk [tilespmem:v9+s3+$0x0], $0xffff  }
0x1d4: {  	v9 =	vadd.s32 s15, v6;
	_ =	sdelay $0x3  }
0x1d5: {  	[tilespmem:s13+$0xFFFFFFD0] =	vst v8  }
0x1d6: {  	v8 =	vld.idx.msk [tilespmem:v9+s3+$0x0], $0xffff  }
0x1d7: {  	v9 =	vadd.s32 s15, v7;
	_ =	sdelay $0x3  }
0x1d8: {  	[tilespmem:s13+$0xFFFFFFE0] =	vst v8  }
0x1d9: {  	s15 =	simm.s32 $0x80;
	v8 =	vld.idx.msk [tilespmem:v9+s3+$0x0], $0xffff  }
0x1da: {  	v9 =	vadd.s32 s15, v0;
	_ =	sdelay $0x3  }
0x1db: {  	[tilespmem:s13+$0xFFFFFFF0] =	vst v8  }
0x1dc: {  	v8 =	vld.idx.msk [tilespmem:v9+s3+$0x0], $0xffff  }
0x1dd: {  	v9 =	vadd.s32 s15, v1;
	_ =	sdelay $0x3  }
0x1de: {  	[tilespmem:s13+$0x0] =	vst v8  }
0x1df: {  	v8 =	vld.idx.msk [tilespmem:v9+s3+$0x0], $0xffff  }
0x1e0: {  	v9 =	vadd.s32 s15, v2;
	_ =	sdelay $0x3  }
0x1e1: {  	[tilespmem:s13+$0x10] =	vst v8  }
0x1e2: {  	v8 =	vld.idx.msk [tilespmem:v9+s3+$0x0], $0xffff  }
0x1e3: {  	v9 =	vadd.s32 s15, v3;
	_ =	sdelay $0x3  }
0x1e4: {  	[tilespmem:s13+$0x20] =	vst v8  }
0x1e5: {  	v8 =	vld.idx.msk [tilespmem:v9+s3+$0x0], $0xffff  }
0x1e6: {  	v9 =	vadd.s32 s15, v4;
	_ =	sdelay $0x3  }
0x1e7: {  	[tilespmem:s13+$0x30] =	vst v8  }
0x1e8: {  	v8 =	vld.idx.msk [tilespmem:v9+s3+$0x0], $0xffff  }
0x1e9: {  	v9 =	vadd.s32 s15, v5;
	_ =	sdelay $0x3  }
0x1ea: {  	[tilespmem:s13+$0x40] =	vst v8  }
0x1eb: {  	v8 =	vld.idx.msk [tilespmem:v9+s3+$0x0], $0xffff  }
0x1ec: {  	v9 =	vadd.s32 s15, v6;
	_ =	sdelay $0x3  }
0x1ed: {  	[tilespmem:s13+$0x50] =	vst v8  }
0x1ee: {  	v8 =	vld.idx.msk [tilespmem:v9+s3+$0x0], $0xffff  }
0x1ef: {  	v9 =	vadd.s32 s15, v7;
	_ =	sdelay $0x3  }
0x1f0: {  	[tilespmem:s13+$0x60] =	vst v8  }
0x1f1: {  	s7 =	simm.s32 $0x4;
	s15 =	simm.s32 $0x100;
	v8 =	vld.idx.msk [tilespmem:v9+s3+$0x0], $0xffff  }
.LBB2_9:
0x1f2: {  	p2 =	slt.u32 s7, $0x2E;
	v9 =	vadd.s32 s15, v0;
	_ =	sdelay $0x3  }
0x1f3: {  	[tilespmem:s13+$0x70] =	vst v8  }
0x1f4: {  	v8 =	vld.idx.msk [tilespmem:v9+s3+$0x0], $0xffff;
	_ =	sdelay $0x1  }
0x1f5: {  	v9 =	vadd.s32 s15, v1;
	_ =	sdelay $0x2  }
0x1f6: {  	s13 =	sadd.s32 $0x100, s13  }
0x1f7: {  	[tilespmem:s13+$0xFFFFFF80] =	vst v8  }
0x1f8: {  	v8 =	vld.idx.msk [tilespmem:v9+s3+$0x0], $0xffff;
	_ =	sdelay $0x1  }
0x1f9: {  	v9 =	vadd.s32 s15, v2;
	_ =	sdelay $0x3  }
0x1fa: {  	[tilespmem:s13+$0xFFFFFF90] =	vst v8  }
0x1fb: {  	v8 =	vld.idx.msk [tilespmem:v9+s3+$0x0], $0xffff;
	_ =	sdelay $0x1  }
0x1fc: {  	v9 =	vadd.s32 s15, v3;
	_ =	sdelay $0x3  }
0x1fd: {  	[tilespmem:s13+$0xFFFFFFA0] =	vst v8  }
0x1fe: {  	v8 =	vld.idx.msk [tilespmem:v9+s3+$0x0], $0xffff;
	_ =	sdelay $0x1  }
0x1ff: {  	v9 =	vadd.s32 s15, v4;
	_ =	sdelay $0x3  }
0x200: {  	[tilespmem:s13+$0xFFFFFFB0] =	vst v8  }
0x201: {  	v8 =	vld.idx.msk [tilespmem:v9+s3+$0x0], $0xffff;
	_ =	sdelay $0x1  }
0x202: {  	v9 =	vadd.s32 s15, v5;
	_ =	sdelay $0x3  }
0x203: {  	[tilespmem:s13+$0xFFFFFFC0] =	vst v8  }
0x204: {  	v8 =	vld.idx.msk [tilespmem:v9+s3+$0x0], $0xffff;
	_ =	sdelay $0x1  }
0x205: {  	v9 =	vadd.s32 s15, v6;
	_ =	sdelay $0x3  }
0x206: {  	[tilespmem:s13+$0xFFFFFFD0] =	vst v8  }
0x207: {  	v8 =	vld.idx.msk [tilespmem:v9+s3+$0x0], $0xffff;
	_ =	sdelay $0x1  }
0x208: {  	v9 =	vadd.s32 s15, v7;
	_ =	sdelay $0x3  }
0x209: {  	[tilespmem:s13+$0xFFFFFFE0] =	vst v8  }
0x20a: {  	v8 =	vld.idx.msk [tilespmem:v9+s3+$0x0], $0xffff  }
0x20b: {  	s15 =	sadd.s32 $0x80, s15  }
0x20c: {  	v9 =	vadd.s32 s15, v0;
	_ =	sdelay $0x3  }
0x20d: {  	[tilespmem:s13+$0xFFFFFFF0] =	vst v8  }
0x20e: {  	v8 =	vld.idx.msk [tilespmem:v9+s3+$0x0], $0xffff;
	_ =	sdelay $0x1  }
0x20f: {  	v9 =	vadd.s32 s15, v1;
	_ =	sdelay $0x3  }
0x210: {  	[tilespmem:s13+$0x0] =	vst v8  }
0x211: {  	v8 =	vld.idx.msk [tilespmem:v9+s3+$0x0], $0xffff;
	_ =	sdelay $0x1  }
0x212: {  	v9 =	vadd.s32 s15, v2;
	_ =	sdelay $0x3  }
0x213: {  	[tilespmem:s13+$0x10] =	vst v8  }
0x214: {  	v8 =	vld.idx.msk [tilespmem:v9+s3+$0x0], $0xffff;
	_ =	sdelay $0x1  }
0x215: {  	v9 =	vadd.s32 s15, v3;
	_ =	sdelay $0x3  }
0x216: {  	[tilespmem:s13+$0x20] =	vst v8  }
0x217: {  	v8 =	vld.idx.msk [tilespmem:v9+s3+$0x0], $0xffff;
	_ =	sdelay $0x1  }
0x218: {  	v9 =	vadd.s32 s15, v4;
	_ =	sdelay $0x3  }
0x219: {  	[tilespmem:s13+$0x30] =	vst v8  }
0x21a: {  	v8 =	vld.idx.msk [tilespmem:v9+s3+$0x0], $0xffff;
	_ =	sdelay $0x1  }
0x21b: {  	v9 =	vadd.s32 s15, v5;
	_ =	sdelay $0x3  }
0x21c: {  	[tilespmem:s13+$0x40] =	vst v8  }
0x21d: {  	v8 =	vld.idx.msk [tilespmem:v9+s3+$0x0], $0xffff;
	_ =	sdelay $0x1  }
0x21e: {  	v9 =	vadd.s32 s15, v6;
	_ =	sdelay $0x3  }
0x21f: {  	[tilespmem:s13+$0x50] =	vst v8  }
0x220: {  	v8 =	vld.idx.msk [tilespmem:v9+s3+$0x0], $0xffff;
	_ =	sdelay $0x1  }
0x221: {  	v9 =	vadd.s32 s15, v7;
	_ =	sdelay $0x1  }
.Ltmp5:
0x222: {  	(pc) =	sbr.rel @p2 .LBB2_9-.Ltmp5, $4  }
0x223: {  	_ = 	snop  }
0x224: {  	[tilespmem:s13+$0x60] =	vst v8  }
0x225: {  	v8 =	vld.idx.msk [tilespmem:v9+s3+$0x0], $0xffff  }
0x226: {  	s15 =	sshll.u32 s7, $0x7;
	s7 =	sadd.s32 $0x2, s7  }
0x227: {  	v9 =	vadd.s32 s15, v0;
	_ =	sdelay $0x3  }
0x228: {  	[tilespmem:s13+$0x70] =	vst v8  }
0x229: {  	v8 =	vld.idx.msk [tilespmem:v9+s3+$0x0], $0xffff  }
0x22a: {  	v9 =	vadd.s32 s15, v1;
	_ =	sdelay $0x2  }
0x22b: {  	s7 =	sadd.s32 $0x100, s13  }
0x22c: {  	[tilespmem:s7+$0xFFFFFF80] =	vst v8  }
0x22d: {  	v8 =	vld.idx.msk [tilespmem:v9+s3+$0x0], $0xffff  }
0x22e: {  	v9 =	vadd.s32 s15, v2;
	_ =	sdelay $0x3  }
0x22f: {  	[tilespmem:s7+$0xFFFFFF90] =	vst v8  }
0x230: {  	v8 =	vld.idx.msk [tilespmem:v9+s3+$0x0], $0xffff  }
0x231: {  	v9 =	vadd.s32 s15, v3;
	_ =	sdelay $0x3  }
0x232: {  	[tilespmem:s7+$0xFFFFFFA0] =	vst v8  }
0x233: {  	v8 =	vld.idx.msk [tilespmem:v9+s3+$0x0], $0xffff  }
0x234: {  	v9 =	vadd.s32 s15, v4;
	_ =	sdelay $0x3  }
0x235: {  	[tilespmem:s7+$0xFFFFFFB0] =	vst v8  }
0x236: {  	v8 =	vld.idx.msk [tilespmem:v9+s3+$0x0], $0xffff  }
0x237: {  	v9 =	vadd.s32 s15, v5;
	_ =	sdelay $0x3  }
0x238: {  	[tilespmem:s7+$0xFFFFFFC0] =	vst v8  }
0x239: {  	v8 =	vld.idx.msk [tilespmem:v9+s3+$0x0], $0xffff  }
0x23a: {  	v9 =	vadd.s32 s15, v6;
	_ =	sdelay $0x3  }
0x23b: {  	[tilespmem:s7+$0xFFFFFFD0] =	vst v8  }
0x23c: {  	v8 =	vld.idx.msk [tilespmem:v9+s3+$0x0], $0xffff  }
0x23d: {  	v9 =	vadd.s32 s15, v7;
	_ =	sdelay $0x3  }
0x23e: {  	[tilespmem:s7+$0xFFFFFFE0] =	vst v8  }
0x23f: {  	s15 =	sadd.s32 $0x80, s15;
	v8 =	vld.idx.msk [tilespmem:v9+s3+$0x0], $0xffff  }
0x240: {  	v9 =	vadd.s32 s15, v0;
	_ =	sdelay $0x3  }
0x241: {  	[tilespmem:s7+$0xFFFFFFF0] =	vst v8  }
0x242: {  	v8 =	vld.idx.msk [tilespmem:v9+s3+$0x0], $0xffff  }
0x243: {  	v9 =	vadd.s32 s15, v1;
	_ =	sdelay $0x3  }
0x244: {  	[tilespmem:s7+$0x0] =	vst v8  }
0x245: {  	v8 =	vld.idx.msk [tilespmem:v9+s3+$0x0], $0xffff  }
0x246: {  	v9 =	vadd.s32 s15, v2;
	_ =	sdelay $0x3  }
0x247: {  	[tilespmem:s7+$0x10] =	vst v8  }
0x248: {  	v8 =	vld.idx.msk [tilespmem:v9+s3+$0x0], $0xffff  }
0x249: {  	v9 =	vadd.s32 s15, v3;
	_ =	sdelay $0x3  }
0x24a: {  	[tilespmem:s7+$0x20] =	vst v8  }
0x24b: {  	v8 =	vld.idx.msk [tilespmem:v9+s3+$0x0], $0xffff  }
0x24c: {  	v9 =	vadd.s32 s15, v4;
	_ =	sdelay $0x3  }
0x24d: {  	[tilespmem:s7+$0x30] =	vst v8  }
0x24e: {  	v8 =	vld.idx.msk [tilespmem:v9+s3+$0x0], $0xffff  }
0x24f: {  	v9 =	vadd.s32 s15, v5;
	_ =	sdelay $0x3  }
0x250: {  	[tilespmem:s7+$0x40] =	vst v8  }
0x251: {  	v8 =	vld.idx.msk [tilespmem:v9+s3+$0x0], $0xffff  }
0x252: {  	v9 =	vadd.s32 s15, v6;
	_ =	sdelay $0x3  }
0x253: {  	[tilespmem:s7+$0x50] =	vst v8  }
0x254: {  	v8 =	vld.idx.msk [tilespmem:v9+s3+$0x0], $0xffff  }
0x255: {  	v9 =	vadd.s32 s15, v7;
	_ =	sdelay $0x3  }
0x256: {  	[tilespmem:s7+$0x60] =	vst v8  }
0x257: {  	v8 =	vld.idx.msk [tilespmem:v9+s3+$0x0], $0xffff;
	_ =	sdelay $0x2  }
0x258: {  	p2 =	sgt.u32 s8, $0x7E  }
0x259: {  	s8 =	sadd.s32 @!p2 s2, s11  }
0x25a: {  	s15 =	sadd.s32 s5, s9;
	s9 =	smul.u32 @!p2 $0x680, s8;
	[tilespmem:s7+$0x70] =	vst v8  }
0x25b: {  	[hbm4b:s15+s3] =	stream.linear.scatter [tilespmem:s20], [sflag:$0x3], $0x1800, $0x38;
	[tilespmem:$0x6880] =	vst v63  }
0x25c: {  	s7 =	sadd.s32 @!p2 s4, s9;
	s9 =	simm.s32 @!p2 $0x0  }
0x25d: {  	[tilespmem:s9], [sflag:$0x1] =	stream.linear.gather @!p2 [hbm4b:s7+s9], $0x1800, $0x38;
	[tilespmem:$0x6880] =	vst v63  }
0x25e: {  	s13 =	simm.s32 $0x0;
	_ =	swait.ge [sflag:s21], $0x1800  }
0x25f: {  	v8 =	vadd.s32 s13, v0;
	[sflag:s21] =	ssyncset.done $0x0  }
0x260: {  	[sflag:s21] =	ssyncadd.s32 $0xFFFFE800  }
0x261: {  	_ =	swait.ge [sflag:s26], $0x1800  }
0x262: {  	[sflag:s26] =	ssyncset.done $0x0  }
0x263: {  	[sflag:s26] =	ssyncadd.s32 $0xFFFFE800  }
0x264: {  	v8 =	vld.idx.msk [tilespmem:v8+s16+$0x0], $0xffff  }
0x265: {  	v9 =	vadd.s32 s13, v1;
	_ =	sdelay $0x2  }
0x266: {  	s9 =	simm.s32 $0x4880  }
0x267: {  	[tilespmem:s9+$0xFFFFFF80] =	vst v8  }
0x268: {  	v8 =	vld.idx.msk [tilespmem:v9+s16+$0x0], $0xffff  }
0x269: {  	v9 =	vadd.s32 s13, v2;
	_ =	sdelay $0x3  }
0x26a: {  	[tilespmem:s9+$0xFFFFFF90] =	vst v8  }
0x26b: {  	v8 =	vld.idx.msk [tilespmem:v9+s16+$0x0], $0xffff  }
0x26c: {  	v9 =	vadd.s32 s13, v3;
	_ =	sdelay $0x3  }
0x26d: {  	[tilespmem:s9+$0xFFFFFFA0] =	vst v8  }
0x26e: {  	v8 =	vld.idx.msk [tilespmem:v9+s16+$0x0], $0xffff  }
0x26f: {  	v9 =	vadd.s32 s13, v4;
	_ =	sdelay $0x3  }
0x270: {  	[tilespmem:s9+$0xFFFFFFB0] =	vst v8  }
0x271: {  	v8 =	vld.idx.msk [tilespmem:v9+s16+$0x0], $0xffff  }
0x272: {  	v9 =	vadd.s32 s13, v5;
	_ =	sdelay $0x3  }
0x273: {  	[tilespmem:s9+$0xFFFFFFC0] =	vst v8  }
0x274: {  	v8 =	vld.idx.msk [tilespmem:v9+s16+$0x0], $0xffff  }
0x275: {  	v9 =	vadd.s32 s13, v6;
	_ =	sdelay $0x3  }
0x276: {  	[tilespmem:s9+$0xFFFFFFD0] =	vst v8  }
0x277: {  	v8 =	vld.idx.msk [tilespmem:v9+s16+$0x0], $0xffff  }
0x278: {  	v9 =	vadd.s32 s13, v7;
	_ =	sdelay $0x3  }
0x279: {  	[tilespmem:s9+$0xFFFFFFE0] =	vst v8  }
0x27a: {  	s15 =	simm.s32 $0x80;
	v8 =	vld.idx.msk [tilespmem:v9+s16+$0x0], $0xffff  }
0x27b: {  	v9 =	vadd.s32 s15, v0;
	_ =	sdelay $0x3  }
0x27c: {  	[tilespmem:s9+$0xFFFFFFF0] =	vst v8  }
0x27d: {  	v8 =	vld.idx.msk [tilespmem:v9+s16+$0x0], $0xffff  }
0x27e: {  	v9 =	vadd.s32 s15, v1;
	_ =	sdelay $0x3  }
0x27f: {  	[tilespmem:s9+$0x0] =	vst v8  }
0x280: {  	v8 =	vld.idx.msk [tilespmem:v9+s16+$0x0], $0xffff  }
0x281: {  	v9 =	vadd.s32 s15, v2;
	_ =	sdelay $0x3  }
0x282: {  	[tilespmem:s9+$0x10] =	vst v8  }
0x283: {  	v8 =	vld.idx.msk [tilespmem:v9+s16+$0x0], $0xffff  }
0x284: {  	v9 =	vadd.s32 s15, v3;
	_ =	sdelay $0x3  }
0x285: {  	[tilespmem:s9+$0x20] =	vst v8  }
0x286: {  	v8 =	vld.idx.msk [tilespmem:v9+s16+$0x0], $0xffff  }
0x287: {  	v9 =	vadd.s32 s15, v4;
	_ =	sdelay $0x3  }
0x288: {  	[tilespmem:s9+$0x30] =	vst v8  }
0x289: {  	v8 =	vld.idx.msk [tilespmem:v9+s16+$0x0], $0xffff  }
0x28a: {  	v9 =	vadd.s32 s15, v5;
	_ =	sdelay $0x3  }
0x28b: {  	[tilespmem:s9+$0x40] =	vst v8  }
0x28c: {  	v8 =	vld.idx.msk [tilespmem:v9+s16+$0x0], $0xffff  }
0x28d: {  	v9 =	vadd.s32 s15, v6;
	_ =	sdelay $0x3  }
0x28e: {  	[tilespmem:s9+$0x50] =	vst v8  }
0x28f: {  	v8 =	vld.idx.msk [tilespmem:v9+s16+$0x0], $0xffff  }
0x290: {  	v9 =	vadd.s32 s15, v7;
	_ =	sdelay $0x3  }
0x291: {  	[tilespmem:s9+$0x60] =	vst v8  }
0x292: {  	s7 =	simm.s32 $0x4;
	s13 =	simm.s32 $0x100;
	v8 =	vld.idx.msk [tilespmem:v9+s16+$0x0], $0xffff  }
.LBB2_11:
0x293: {  	p3 =	slt.u32 s7, $0x2E;
	v9 =	vadd.s32 s13, v0;
	_ =	sdelay $0x3  }
0x294: {  	[tilespmem:s9+$0x70] =	vst v8  }
0x295: {  	v8 =	vld.idx.msk [tilespmem:v9+s16+$0x0], $0xffff;
	_ =	sdelay $0x1  }
0x296: {  	v9 =	vadd.s32 s13, v1;
	_ =	sdelay $0x2  }
0x297: {  	s9 =	sadd.s32 $0x100, s9  }
0x298: {  	[tilespmem:s9+$0xFFFFFF80] =	vst v8  }
0x299: {  	v8 =	vld.idx.msk [tilespmem:v9+s16+$0x0], $0xffff;
	_ =	sdelay $0x1  }
0x29a: {  	v9 =	vadd.s32 s13, v2;
	_ =	sdelay $0x3  }
0x29b: {  	[tilespmem:s9+$0xFFFFFF90] =	vst v8  }
0x29c: {  	v8 =	vld.idx.msk [tilespmem:v9+s16+$0x0], $0xffff;
	_ =	sdelay $0x1  }
0x29d: {  	v9 =	vadd.s32 s13, v3;
	_ =	sdelay $0x3  }
0x29e: {  	[tilespmem:s9+$0xFFFFFFA0] =	vst v8  }
0x29f: {  	v8 =	vld.idx.msk [tilespmem:v9+s16+$0x0], $0xffff;
	_ =	sdelay $0x1  }
0x2a0: {  	v9 =	vadd.s32 s13, v4;
	_ =	sdelay $0x3  }
0x2a1: {  	[tilespmem:s9+$0xFFFFFFB0] =	vst v8  }
0x2a2: {  	v8 =	vld.idx.msk [tilespmem:v9+s16+$0x0], $0xffff;
	_ =	sdelay $0x1  }
0x2a3: {  	v9 =	vadd.s32 s13, v5;
	_ =	sdelay $0x3  }
0x2a4: {  	[tilespmem:s9+$0xFFFFFFC0] =	vst v8  }
0x2a5: {  	v8 =	vld.idx.msk [tilespmem:v9+s16+$0x0], $0xffff;
	_ =	sdelay $0x1  }
0x2a6: {  	v9 =	vadd.s32 s13, v6;
	_ =	sdelay $0x3  }
0x2a7: {  	[tilespmem:s9+$0xFFFFFFD0] =	vst v8  }
0x2a8: {  	v8 =	vld.idx.msk [tilespmem:v9+s16+$0x0], $0xffff;
	_ =	sdelay $0x1  }
0x2a9: {  	v9 =	vadd.s32 s13, v7;
	_ =	sdelay $0x3  }
0x2aa: {  	[tilespmem:s9+$0xFFFFFFE0] =	vst v8  }
0x2ab: {  	v8 =	vld.idx.msk [tilespmem:v9+s16+$0x0], $0xffff  }
0x2ac: {  	s13 =	sadd.s32 $0x80, s13  }
0x2ad: {  	v9 =	vadd.s32 s13, v0;
	_ =	sdelay $0x3  }
0x2ae: {  	[tilespmem:s9+$0xFFFFFFF0] =	vst v8  }
0x2af: {  	v8 =	vld.idx.msk [tilespmem:v9+s16+$0x0], $0xffff;
	_ =	sdelay $0x1  }
0x2b0: {  	v9 =	vadd.s32 s13, v1;
	_ =	sdelay $0x3  }
0x2b1: {  	[tilespmem:s9+$0x0] =	vst v8  }
0x2b2: {  	v8 =	vld.idx.msk [tilespmem:v9+s16+$0x0], $0xffff;
	_ =	sdelay $0x1  }
0x2b3: {  	v9 =	vadd.s32 s13, v2;
	_ =	sdelay $0x3  }
0x2b4: {  	[tilespmem:s9+$0x10] =	vst v8  }
0x2b5: {  	v8 =	vld.idx.msk [tilespmem:v9+s16+$0x0], $0xffff;
	_ =	sdelay $0x1  }
0x2b6: {  	v9 =	vadd.s32 s13, v3;
	_ =	sdelay $0x3  }
0x2b7: {  	[tilespmem:s9+$0x20] =	vst v8  }
0x2b8: {  	v8 =	vld.idx.msk [tilespmem:v9+s16+$0x0], $0xffff;
	_ =	sdelay $0x1  }
0x2b9: {  	v9 =	vadd.s32 s13, v4;
	_ =	sdelay $0x3  }
0x2ba: {  	[tilespmem:s9+$0x30] =	vst v8  }
0x2bb: {  	v8 =	vld.idx.msk [tilespmem:v9+s16+$0x0], $0xffff;
	_ =	sdelay $0x1  }
0x2bc: {  	v9 =	vadd.s32 s13, v5;
	_ =	sdelay $0x3  }
0x2bd: {  	[tilespmem:s9+$0x40] =	vst v8  }
0x2be: {  	v8 =	vld.idx.msk [tilespmem:v9+s16+$0x0], $0xffff;
	_ =	sdelay $0x1  }
0x2bf: {  	v9 =	vadd.s32 s13, v6;
	_ =	sdelay $0x3  }
0x2c0: {  	[tilespmem:s9+$0x50] =	vst v8  }
0x2c1: {  	v8 =	vld.idx.msk [tilespmem:v9+s16+$0x0], $0xffff;
	_ =	sdelay $0x1  }
0x2c2: {  	v9 =	vadd.s32 s13, v7;
	_ =	sdelay $0x1  }
.Ltmp6:
0x2c3: {  	(pc) =	sbr.rel @p3 .LBB2_11-.Ltmp6, $4  }
0x2c4: {  	_ = 	snop  }
0x2c5: {  	[tilespmem:s9+$0x60] =	vst v8  }
0x2c6: {  	v8 =	vld.idx.msk [tilespmem:v9+s16+$0x0], $0xffff  }
0x2c7: {  	s13 =	sshll.u32 s7, $0x7;
	s7 =	sadd.s32 $0x2, s7  }
0x2c8: {  	v9 =	vadd.s32 s13, v0;
	_ =	sdelay $0x3  }
0x2c9: {  	[tilespmem:s9+$0x70] =	vst v8  }
0x2ca: {  	v8 =	vld.idx.msk [tilespmem:v9+s16+$0x0], $0xffff  }
0x2cb: {  	v49 =	vadd.s32 s13, v1;
	_ =	sdelay $0x2  }
0x2cc: {  	s7 =	sadd.s32 $0x100, s9  }
0x2cd: {  	[tilespmem:s7+$0xFFFFFF80] =	vst v8  }
0x2ce: {  	v8 =	vld.idx.msk [tilespmem:v49+s16+$0x0], $0xffff  }
0x2cf: {  	v50 =	vadd.s32 s13, v2;
	_ =	sdelay $0x3  }
0x2d0: {  	[tilespmem:s7+$0xFFFFFF90] =	vst v8  }
0x2d1: {  	v8 =	vld.idx.msk [tilespmem:v50+s16+$0x0], $0xffff  }
0x2d2: {  	v51 =	vadd.s32 s13, v3;
	_ =	sdelay $0x3  }
0x2d3: {  	[tilespmem:s7+$0xFFFFFFA0] =	vst v8  }
0x2d4: {  	v8 =	vld.idx.msk [tilespmem:v51+s16+$0x0], $0xffff  }
0x2d5: {  	v52 =	vadd.s32 s13, v4;
	_ =	sdelay $0x3  }
0x2d6: {  	[tilespmem:s7+$0xFFFFFFB0] =	vst v8  }
0x2d7: {  	v8 =	vld.idx.msk [tilespmem:v52+s16+$0x0], $0xffff  }
0x2d8: {  	v53 =	vadd.s32 s13, v5;
	_ =	sdelay $0x3  }
0x2d9: {  	[tilespmem:s7+$0xFFFFFFC0] =	vst v8  }
0x2da: {  	v8 =	vld.idx.msk [tilespmem:v53+s16+$0x0], $0xffff  }
0x2db: {  	v54 =	vadd.s32 s13, v6;
	_ =	sdelay $0x3  }
0x2dc: {  	[tilespmem:s7+$0xFFFFFFD0] =	vst v8  }
0x2dd: {  	v8 =	vld.idx.msk [tilespmem:v54+s16+$0x0], $0xffff  }
0x2de: {  	v55 =	vadd.s32 s13, v7;
	_ =	sdelay $0x3  }
0x2df: {  	[tilespmem:s7+$0xFFFFFFE0] =	vst v8  }
0x2e0: {  	s13 =	sadd.s32 $0x80, s13;
	v8 =	vld.idx.msk [tilespmem:v55+s16+$0x0], $0xffff  }
0x2e1: {  	v56 =	vadd.s32 s13, v0;
	_ =	sdelay $0x3  }
0x2e2: {  	[tilespmem:s7+$0xFFFFFFF0] =	vst v8  }
0x2e3: {  	v8 =	vld.idx.msk [tilespmem:v56+s16+$0x0], $0xffff  }
0x2e4: {  	v57 =	vadd.s32 s13, v1;
	_ =	sdelay $0x3  }
0x2e5: {  	[tilespmem:s7+$0x0] =	vst v8  }
0x2e6: {  	v8 =	vld.idx.msk [tilespmem:v57+s16+$0x0], $0xffff  }
0x2e7: {  	v58 =	vadd.s32 s13, v2;
	_ =	sdelay $0x3  }
0x2e8: {  	[tilespmem:s7+$0x10] =	vst v8  }
0x2e9: {  	v8 =	vld.idx.msk [tilespmem:v58+s16+$0x0], $0xffff  }
0x2ea: {  	v59 =	vadd.s32 s13, v3;
	_ =	sdelay $0x3  }
0x2eb: {  	[tilespmem:s7+$0x20] =	vst v8  }
0x2ec: {  	v8 =	vld.idx.msk [tilespmem:v59+s16+$0x0], $0xffff  }
0x2ed: {  	v60 =	vadd.s32 s13, v4;
	_ =	sdelay $0x3  }
0x2ee: {  	[tilespmem:s7+$0x30] =	vst v8  }
0x2ef: {  	v8 =	vld.idx.msk [tilespmem:v60+s16+$0x0], $0xffff  }
0x2f0: {  	v61 =	vadd.s32 s13, v5;
	_ =	sdelay $0x3  }
0x2f1: {  	[tilespmem:s7+$0x40] =	vst v8  }
0x2f2: {  	v8 =	vld.idx.msk [tilespmem:v61+s16+$0x0], $0xffff  }
0x2f3: {  	v62 =	vadd.s32 s13, v6;
	_ =	sdelay $0x3  }
0x2f4: {  	[tilespmem:s7+$0x50] =	vst v8  }
0x2f5: {  	v8 =	vld.idx.msk [tilespmem:v62+s16+$0x0], $0xffff  }
0x2f6: {  	v63 =	vadd.s32 s13, v7;
	_ =	sdelay $0x3  }
0x2f7: {  	[tilespmem:s7+$0x60] =	vst v8  }
0x2f8: {  	v8 =	vld.idx.msk [tilespmem:v63+s16+$0x0], $0xffff;
	_ =	sdelay $0x2  }
0x2f9: {  	s8 =	smul.u32 @!p2 $0x3400, s8;
	_ =	sdelay $0x1  }
0x2fa: {  	s15 =	sadd.s32 s5, s10;
	[tilespmem:s7+$0x70] =	vst v8;
	s7 =	sshrl.u32 @!p2 s8, $0x3  }
0x2fb: {  	[hbm4b:s15+s3] =	stream.linear.scatter [tilespmem:s22], [sflag:$0x4], $0x1800, $0x38;
	[tilespmem:$0x6880] =	vst v63  }
0x2fc: {  	s7 =	sadd.s32 @!p2 s4, s7  }
0x2fd: {  	s9 =	simm.s32 @!p2 $0x1800;
	s8 =	simm.s32 @!p2 $0x0;
	s7 =	sadd.s32 @!p2 $0x300, s7  }
0x2fe: {  	[tilespmem:s9], [sflag:$0x2] =	stream.linear.gather @!p2 [hbm4b:s7+s8], $0x1800, $0x38;
	[tilespmem:$0x6880] =	vst v63  }
0x2ff: {  	_ =	swait.ge [sflag:s28], $0x200  }
0x300: {  	[sflag:s28] =	ssyncset.done $0x0  }
0x301: {  	s7 =	simm.s32 @!p0 $0x8;
	[sflag:s28] =	ssyncadd.s32 $0xFFFFFE00  }
0x302: {  	_ =	swait.ge @!p0 [sflag:s7], $0x200  }
0x303: {  	[sflag:s7] =	ssyncset.done @!p0 $0x0  }
0x304: {  	[sflag:s7] =	ssyncadd.s32 @!p0 $0xFFFFFE00;
	s7 =	simm.s32 $0x0;
	p0 =	por $0x1, $0x1  }
.LBB2_13:
0x305: {  	s7 =	sshll.u32 s7, $0x7  }
0x306: {  	v8 =	vadd.s32 s7, v0;
	_ =	sdelay $0x4  }
0x307: {  	v8 =	vld.idx.msk [tilespmem:v8+s18+$0x0], $0xffff  }
0x308: {  	v9 =	vadd.s32 s7, v1;
	_ =	sdelay $0x2  }
0x309: {  	s8 =	sand.u32 $0x3FFFFF80, s7  }
0x30a: {  	[tilespmem:s8+$0x6600] =	vst v8  }
0x30b: {  	v8 =	vld.idx.msk [tilespmem:v9+s18+$0x0], $0xffff  }
0x30c: {  	v50 =	vadd.s32 s7, v2;
	_ =	sdelay $0x3  }
0x30d: {  	[tilespmem:s8+$0x6610] =	vst v8  }
0x30e: {  	v8 =	vld.idx.msk [tilespmem:v50+s18+$0x0], $0xffff  }
0x30f: {  	v51 =	vadd.s32 s7, v3;
	_ =	sdelay $0x3  }
0x310: {  	[tilespmem:s8+$0x6620] =	vst v8  }
0x311: {  	v8 =	vld.idx.msk [tilespmem:v51+s18+$0x0], $0xffff  }
0x312: {  	v52 =	vadd.s32 s7, v4;
	_ =	sdelay $0x3  }
0x313: {  	[tilespmem:s8+$0x6630] =	vst v8  }
0x314: {  	v8 =	vld.idx.msk [tilespmem:v52+s18+$0x0], $0xffff  }
0x315: {  	v53 =	vadd.s32 s7, v5;
	_ =	sdelay $0x3  }
0x316: {  	[tilespmem:s8+$0x6640] =	vst v8  }
0x317: {  	v8 =	vld.idx.msk [tilespmem:v53+s18+$0x0], $0xffff  }
0x318: {  	v54 =	vadd.s32 s7, v6;
	_ =	sdelay $0x3  }
0x319: {  	[tilespmem:s8+$0x6650] =	vst v8  }
0x31a: {  	v8 =	vld.idx.msk [tilespmem:v54+s18+$0x0], $0xffff  }
0x31b: {  	v55 =	vadd.s32 s7, v7;
	_ =	sdelay $0x3  }
0x31c: {  	[tilespmem:s8+$0x6660] =	vst v8  }
0x31d: {  	s7 =	sor.u32 $0x80, s7;
	v8 =	vld.idx.msk [tilespmem:v55+s18+$0x0], $0xffff  }
0x31e: {  	v56 =	vadd.s32 s7, v0;
	_ =	sdelay $0x3  }
0x31f: {  	[tilespmem:s8+$0x6670] =	vst v8  }
0x320: {  	v8 =	vld.idx.msk [tilespmem:v56+s18+$0x0], $0xffff  }
0x321: {  	v57 =	vadd.s32 s7, v1;
	_ =	sdelay $0x2  }
0x322: {  	s15 =	sand.u32 $0x3FFFFF80, s7  }
0x323: {  	[tilespmem:s15+$0x6600] =	vst v8  }
0x324: {  	v8 =	vld.idx.msk [tilespmem:v57+s18+$0x0], $0xffff  }
0x325: {  	v58 =	vadd.s32 s7, v2;
	_ =	sdelay $0x3  }
0x326: {  	[tilespmem:s15+$0x6610] =	vst v8  }
0x327: {  	v8 =	vld.idx.msk [tilespmem:v58+s18+$0x0], $0xffff  }
0x328: {  	v59 =	vadd.s32 s7, v3;
	_ =	sdelay $0x3  }
0x329: {  	[tilespmem:s15+$0x6620] =	vst v8  }
0x32a: {  	v8 =	vld.idx.msk [tilespmem:v59+s18+$0x0], $0xffff  }
0x32b: {  	v60 =	vadd.s32 s7, v4;
	_ =	sdelay $0x3  }
0x32c: {  	[tilespmem:s15+$0x6630] =	vst v8  }
0x32d: {  	v8 =	vld.idx.msk [tilespmem:v60+s18+$0x0], $0xffff  }
0x32e: {  	v61 =	vadd.s32 s7, v5;
	_ =	sdelay $0x3  }
0x32f: {  	[tilespmem:s15+$0x6640] =	vst v8  }
0x330: {  	v8 =	vld.idx.msk [tilespmem:v61+s18+$0x0], $0xffff  }
0x331: {  	v62 =	vadd.s32 s7, v6;
	_ =	sdelay $0x3  }
0x332: {  	[tilespmem:s15+$0x6650] =	vst v8  }
0x333: {  	v8 =	vld.idx.msk [tilespmem:v62+s18+$0x0], $0xffff  }
0x334: {  	v63 =	vadd.s32 s7, v7;
	_ =	sdelay $0x3  }
0x335: {  	[tilespmem:s15+$0x6660] =	vst v8  }
0x336: {  	p2 =	por p0, p0;
	v8 =	vld.idx.msk [tilespmem:v63+s18+$0x0], $0xffff  }
.Ltmp7:
0x337: {  	_ = 	snop;
	(pc) =	sbr.rel @p2 .LBB2_13-.Ltmp7, $2  }
0x338: {  	_ =	sdelay $0x2  }
0x339: {  	p0 =	por $0x0, $0x0;
	s7 =	simm.s32 $0x2;
	[tilespmem:s15+$0x6670] =	vst v8  }
.Ltmp8:
0x33a: {  	(pc) =	sbr.rel @p1 .LBB2_16-.Ltmp8, $4  }
0x33b: {  	_ = 	snop  }
0x33c: {  	s7 =	sadd.s32 s5, s14  }
0x33d: {  	s7 =	sadd.s32 $0x600, s7  }
0x33e: {  	[hbm4b:s7+s3] =	stream.linear.scatter [tilespmem:s29], [sflag:$0x8], $0x200, $0x38;
	[tilespmem:$0x6880] =	vst v63  }
0x33f: {  	s2 =	sadd.s32 s2, s12  }
0x340: {  	s2 =	smul.u32 $0x3400, s2  }
.Ltmp9:
0x341: {  	_ = 	snop;
	(pc) =	sbr.rel .LBB2_2-.Ltmp9, $4  }
0x342: {  	s2 =	sshrl.u32 s2, $0x3  }
0x343: {  	s2 =	sadd.s32 s4, s2  }
0x344: {  	s1 =	sadd.s32 $0x1, s1;
	s2 =	sadd.s32 $0x600, s2  }
0x345: {  	[tilespmem:s18], [sflag:$0x6] =	stream.linear.gather [hbm4b:s2+s3], $0x200, $0x38;
	[tilespmem:$0x6880] =	vst v63  }
.LBB2_17:
0x346: {  	_ =	sfence.sel $0x180000  }
0x347: {  	[bflag:$0x0] =	sbarrier.arrive $0xFFFF  }
0x348: {  	_ =	strace $0x90000047  }
0x349: {  	s0 =	stileid.u32;
	[bflag:$0x2] =	sbarrier.arrive $0xFFFF  }
0x34a: {  	p0 =	sne.s32 s0, $0x0;
	s0 =	rddreg [dreg:$0x2]  }
0x34b: {  	s0 =	sadd.s32 @!p0 $0x100000, s0  }
0x34c: {  	[sflag:s0] =	ssyncadd.tile.s32 @!p0 $0x1;
	_ =	shalt  }
.Lfunc_end2:
_tile_overlayer_lowered:
.L_overlay_start_2:
0x34d: {  	(tag) =	ssettag $0x2  }
0x34e: {  	s0 =	rddreg [dreg:$0x0];
	s2 =	stileid.u32  }
0x34f: {  	s1 =	rddreg [dreg:$0x1];
	p0 =	sne.s32 s2, $0x0  }
0x350: {  	s3 =	rddreg [dreg:$0x2];
	[bflag:$0x3] =	sbarrier.arrive $0xFFFF;
	s2 =	simm.s32 @!p0 $0x1C09  }
0x351: {  	[timem:s3], [sflag:s2] =	dma.local @!p0 [hbm:s0], s1  }
0x352: {  	s0 =	simm.s32 @!p0 $0x9  }
0x353: {  	_ =	swait.ge @!p0 [sflag:s0], s1  }
0x354: {  	s1 =	ssub.s32 @!p0 $0x0, s1;
	[sflag:s0] =	ssyncset.done @!p0 $0x0  }
0x355: {  	[sflag:s0] =	ssyncadd.s32 @!p0 s1  }
0x356: {  	[bflag:$0x3] =	sbarrier.arrive $0xFFFF  }
0x357: {  	_ =	shalt  }

</sc_bundles>
